<compile_context>
chip_gen: v7x
topology: tpu7x:2x2x1
jax: 0.10.2.dev20260603
libtpu: 0.0.44.dev20260713+nightly
codegen_flags: <defaults>
</compile_context>

<pallas_src>
import functools

import jax
import jax.numpy as jnp
from jax.experimental import pallas as pl
from jax.experimental.pallas import tpu as pltpu
from jax.experimental.pallas import tpu_sc as plsc

D_MODEL = 768
NUM_EXPERTS = 64
N_TOKENS = 32768
TB = 4096
NW = 32
TPW = N_TOKENS // NW

NEG_BIG = -1e30


def _logits_block(x_ref, w_ref, lt_ref):
    lt_ref[...] = jax.lax.dot_general(
        w_ref[...], x_ref[...], (((0,), (1,)), ((), ())),
        preferred_element_type=jnp.float32)


def _tc_logits(x, W):
    n_tokens = x.shape[0]
    return pl.pallas_call(
        _logits_block,
        grid=(n_tokens // TB,),
        in_specs=[
            pl.BlockSpec((TB, D_MODEL), lambda i: (i, 0)),
            pl.BlockSpec((D_MODEL, NUM_EXPERTS), lambda i: (0, 0)),
        ],
        out_specs=pl.BlockSpec((NUM_EXPERTS, TB), lambda i: (0, i)),
        out_shape=jax.ShapeDtypeStruct((NUM_EXPERTS, n_tokens), jnp.float32),
        compiler_params=pltpu.CompilerParams(
            dimension_semantics=("arbitrary",),
        ),
    )(x, W)


def _sc_route_body(lt_hbm, idx_hbm, prob_hbm, lt_v, i1_v, i2_v, p1_v, p2_v):
    wid = jax.lax.axis_index("s") * 2 + jax.lax.axis_index("c")
    base = wid * TPW
    pltpu.sync_copy(lt_hbm.at[:, pl.ds(base, TPW)], lt_v)

    def group(g, carry):
        sl = pl.ds(g * 16, 16)
        m1 = lt_v[0, sl]
        i1 = jnp.zeros((16,), jnp.float32)
        m2 = jnp.full((16,), NEG_BIG, jnp.float32)
        i2 = jnp.full((16,), float(NUM_EXPERTS), jnp.float32)
        for e in range(1, NUM_EXPERTS):
            v = lt_v[e, sl]
            c1 = v > m1
            c2 = v > m2
            ef = float(e)
            i2 = jnp.where(c1, i1, jnp.where(c2, ef, i2))
            m2 = jnp.where(c1, m1, jnp.where(c2, v, m2))
            i1 = jnp.where(c1, ef, i1)
            m1 = jnp.where(c1, v, m1)
        ee = jnp.exp(m2 - m1)
        r = 1.0 / (1.0 + ee)
        i1_v[sl] = i1.astype(jnp.int32)
        i2_v[sl] = i2.astype(jnp.int32)
        p1_v[sl] = r
        p2_v[sl] = ee * r
        return carry

    jax.lax.fori_loop(0, TPW // 16, group, 0)
    pltpu.sync_copy(i1_v, idx_hbm.at[0, pl.ds(base, TPW)])
    pltpu.sync_copy(i2_v, idx_hbm.at[1, pl.ds(base, TPW)])
    pltpu.sync_copy(p1_v, prob_hbm.at[0, pl.ds(base, TPW)])
    pltpu.sync_copy(p2_v, prob_hbm.at[1, pl.ds(base, TPW)])


_sc_route = functools.partial(
    pl.kernel,
    mesh=plsc.VectorSubcoreMesh(core_axis_name="c", subcore_axis_name="s"),
    out_type=[
        jax.ShapeDtypeStruct((2, N_TOKENS), jnp.int32),
        jax.ShapeDtypeStruct((2, N_TOKENS), jnp.float32),
    ],
    scratch_types=[
        pltpu.VMEM((NUM_EXPERTS, TPW), jnp.float32),
        pltpu.VMEM((TPW,), jnp.int32),
        pltpu.VMEM((TPW,), jnp.int32),
        pltpu.VMEM((TPW,), jnp.float32),
        pltpu.VMEM((TPW,), jnp.float32),
    ],
)(_sc_route_body)


@functools.partial(jax.jit, static_argnames=())
def kernel(x, W, b):
    lt = _tc_logits(x, W)
    idx_t, prob_t = _sc_route(lt)
    return jnp.transpose(idx_t), jnp.transpose(prob_t)

# --- scband reference (transcript-rebuilt; emitter-appended) ---
"""Pipeline reference for scband-simple-tttrouter-5059471475438 (READ-ONLY COPY).

The authoritative reference and input builder live on the scoring server;
editing this copy changes nothing except your own understanding.
"""

import jax, jax.numpy as jnp
import numpy as np

D_MODEL = 768
NUM_EXPERTS = 64
TOP_K = 2
N_TOKENS = 32768

def setup_inputs(seed: int = 0) -> dict:
    key = jax.random.key(seed)
    k1, k2 = jax.random.split(key)
    x = jax.random.normal(k1, (N_TOKENS, D_MODEL), dtype=jnp.float32)
    W = jax.random.normal(k2, (D_MODEL, NUM_EXPERTS), dtype=jnp.float32) * 0.02
    b = jnp.zeros((NUM_EXPERTS,), dtype=jnp.float32)
    return {"x": x, "W": W, "b": b}

def reference(x, W, b):
    # gate = nn.Linear(d_model, num_experts)
    logits = x @ W + b
    probs = jax.nn.softmax(logits, axis=-1)
    top_k_probs, top_k_indices = jax.lax.top_k(probs, TOP_K)
    top_k_probs = top_k_probs / (jnp.sum(top_k_probs, axis=-1, keepdims=True) + 1e-08)
    return (top_k_indices, top_k_probs)

if __name__ == "__main__":
    import jax
    _d = setup_inputs()
    print(jax.jit(kernel)(*tuple(_d.values())))

</pallas_src>

<mosaic_0001>
#map = affine_map<(d0, d1) -> (0, 0)>
module attributes {stable_mosaic.version = 14 : i64} {
  func.func @_sc_route_body(%arg0: i32, %arg1: i32, %arg2: memref<64x32768xf32, #tpu.memory_space<hbm>>, %arg3: memref<2x32768xi32, #tpu.memory_space<hbm>>, %arg4: memref<2x32768xf32, #tpu.memory_space<hbm>>, %arg5: memref<64x1024xf32, #tpu.memory_space<vmem>>, %arg6: memref<1024xi32, #tpu.memory_space<vmem>>, %arg7: memref<1024xi32, #tpu.memory_space<vmem>>, %arg8: memref<1024xf32, #tpu.memory_space<vmem>>, %arg9: memref<1024xf32, #tpu.memory_space<vmem>>) attributes {dimension_semantics = [#tpu.dimension_semantics<core_parallel>, #tpu.dimension_semantics<subcore_parallel>], iteration_bounds = array<i64: 2, 16>, scalar_prefetch = 0 : i64, scratch_operands = 5 : i64, tpu.core_type = #tpu.core_type<sc_vector_subcore>, window_params = [{transform_indices = #map}, {transform_indices = #map}, {transform_indices = #map}]} {
    %mul3A = arith.constant 2 : i32
    %mul3A_0 = arith.muli %arg1, %mul3A : i32
    %add3A = arith.addi %mul3A_0, %arg0 : i32
    %mul3A_1 = arith.constant 1024 : i32
    %mul3A_2 = arith.muli %add3A, %mul3A_1 : i32
    "tpu.region"() ({
      %run_scoped3A_11 = tpu.sem_alloc : memref<!tpu.dma_semaphore, #tpu.memory_space<semaphore_mem>>
      %dma_start3A = arith.constant 0 : i32
      %dma_start3A_12 = tpu.memref_slice %arg2[%dma_start3A, %mul3A_2] : memref<64x32768xf32, #tpu.memory_space<hbm>> -> memref<64x1024xf32, #tpu.memory_space<hbm>>
      %dma_start3A_13 = arith.constant 0 : i32
      %dma_start3A_14 = tpu.memref_slice %arg2[%dma_start3A_13, %mul3A_2] : memref<64x32768xf32, #tpu.memory_space<hbm>> -> memref<64x1024xf32, #tpu.memory_space<hbm>>
      tpu.enqueue_dma source(%dma_start3A_14 : memref<64x1024xf32, #tpu.memory_space<hbm>>) target(%arg5 : memref<64x1024xf32, #tpu.memory_space<vmem>>) target_semaphore(%run_scoped3A_11 : memref<!tpu.dma_semaphore, #tpu.memory_space<semaphore_mem>>)
      %dma_wait3A = arith.constant 0 : i32
      %dma_wait3A_15 = tpu.memref_slice %arg2[%dma_wait3A, %mul3A_2] : memref<64x32768xf32, #tpu.memory_space<hbm>> -> memref<64x1024xf32, #tpu.memory_space<hbm>>
      %dma_wait3A_16 = arith.constant 0 : i32
      %dma_wait3A_17 = tpu.memref_slice %arg2[%dma_wait3A_16, %mul3A_2] : memref<64x32768xf32, #tpu.memory_space<hbm>> -> memref<64x1024xf32, #tpu.memory_space<hbm>>
      tpu.wait_dma2 semaphore(%run_scoped3A_11 : memref<!tpu.dma_semaphore, #tpu.memory_space<semaphore_mem>>) src(%dma_wait3A_17 : memref<64x1024xf32, #tpu.memory_space<hbm>>) dst(%arg5 : memref<64x1024xf32, #tpu.memory_space<vmem>>)
      tpu.yield
    }) : () -> ()
    %scan3A = arith.constant 0 : i32
    %scan3A_3 = arith.constant 0 : i32
    %scan3A_4 = arith.constant 64 : i32
    %scan3A_5 = arith.addi %scan3A_3, %scan3A_4 : i32
    %scan3A_6 = arith.constant 1 : i32
    scf.for %scan3A_11 = %scan3A_3 to %scan3A_5 step %scan3A_6  : i32 {
      %mul3A_12 = arith.constant 16 : i32
      %mul3A_13 = arith.muli %scan3A_11, %mul3A_12 : i32
      %get3A = arith.constant 0 : i32
      %get3A_14 = arith.index_cast %get3A : i32 to index
      %get3A_15 = arith.index_cast %mul3A_13 : i32 to index
      %get3A_16 = tpu.vector_load %arg5[%get3A_14, %get3A_15] {strides = array<i32>} : memref<64x1024xf32, #tpu.memory_space<vmem>>, vector<1x16xf32>,
      %get3A_17 = vector.shape_cast %get3A_16 : vector<1x16xf32> to vector<16xf32>
      %broadcast_in_dim3A = arith.constant 0.000000e+00 : f32
      %broadcast_in_dim3A_18 = vector.broadcast %broadcast_in_dim3A : f32 to vector<16xf32>
      %broadcast_in_dim3A_19 = arith.constant -1.000000e+30 : f32
      %broadcast_in_dim3A_20 = vector.broadcast %broadcast_in_dim3A_19 : f32 to vector<16xf32>
      %broadcast_in_dim3A_21 = arith.constant 6.400000e+01 : f32
      %broadcast_in_dim3A_22 = vector.broadcast %broadcast_in_dim3A_21 : f32 to vector<16xf32>
      %get3A_23 = arith.constant 1 : i32
      %get3A_24 = arith.index_cast %get3A_23 : i32 to index
      %get3A_25 = arith.index_cast %mul3A_13 : i32 to index
      %get3A_26 = tpu.vector_load %arg5[%get3A_24, %get3A_25] {strides = array<i32>} : memref<64x1024xf32, #tpu.memory_space<vmem>>, vector<1x16xf32>,
      %get3A_27 = vector.shape_cast %get3A_26 : vector<1x16xf32> to vector<16xf32>
      %gt3A = arith.cmpf ogt, %get3A_27, %get3A_17 : vector<16xf32>
      %gt3A_28 = arith.cmpf ogt, %get3A_27, %broadcast_in_dim3A_20 : vector<16xf32>
      %jit3A = arith.constant 1.000000e+00 : f32
      %broadcast_in_dim3A_29 = vector.broadcast %jit3A : f32 to vector<16xf32>
      %select_n3A = arith.select %gt3A_28, %broadcast_in_dim3A_29, %broadcast_in_dim3A_22 : vector<16xi1>, vector<16xf32>
      %select_n3A_30 = arith.select %gt3A, %broadcast_in_dim3A_18, %select_n3A : vector<16xi1>, vector<16xf32>
      %select_n3A_31 = arith.select %gt3A_28, %get3A_27, %broadcast_in_dim3A_20 : vector<16xi1>, vector<16xf32>
      %select_n3A_32 = arith.select %gt3A, %get3A_17, %select_n3A_31 : vector<16xi1>, vector<16xf32>
      %jit3A_33 = arith.constant 1.000000e+00 : f32
      %broadcast_in_dim3A_34 = vector.broadcast %jit3A_33 : f32 to vector<16xf32>
      %select_n3A_35 = arith.select %gt3A, %broadcast_in_dim3A_34, %broadcast_in_dim3A_18 : vector<16xi1>, vector<16xf32>
      %select_n3A_36 = arith.select %gt3A, %get3A_27, %get3A_17 : vector<16xi1>, vector<16xf32>
      %get3A_37 = arith.constant 2 : i32
      %get3A_38 = arith.index_cast %get3A_37 : i32 to index
      %get3A_39 = arith.index_cast %mul3A_13 : i32 to index
      %get3A_40 = tpu.vector_load %arg5[%get3A_38, %get3A_39] {strides = array<i32>} : memref<64x1024xf32, #tpu.memory_space<vmem>>, vector<1x16xf32>,
      %get3A_41 = vector.shape_cast %get3A_40 : vector<1x16xf32> to vector<16xf32>
      %gt3A_42 = arith.cmpf ogt, %get3A_41, %select_n3A_36 : vector<16xf32>
      %gt3A_43 = arith.cmpf ogt, %get3A_41, %select_n3A_32 : vector<16xf32>
      %jit3A_44 = arith.constant 2.000000e+00 : f32
      %broadcast_in_dim3A_45 = vector.broadcast %jit3A_44 : f32 to vector<16xf32>
      %select_n3A_46 = arith.select %gt3A_43, %broadcast_in_dim3A_45, %select_n3A_30 : vector<16xi1>, vector<16xf32>
      %select_n3A_47 = arith.select %gt3A_42, %select_n3A_35, %select_n3A_46 : vector<16xi1>, vector<16xf32>
      %select_n3A_48 = arith.select %gt3A_43, %get3A_41, %select_n3A_32 : vector<16xi1>, vector<16xf32>
      %select_n3A_49 = arith.select %gt3A_42, %select_n3A_36, %select_n3A_48 : vector<16xi1>, vector<16xf32>
      %jit3A_50 = arith.constant 2.000000e+00 : f32
      %broadcast_in_dim3A_51 = vector.broadcast %jit3A_50 : f32 to vector<16xf32>
      %select_n3A_52 = arith.select %gt3A_42, %broadcast_in_dim3A_51, %select_n3A_35 : vector<16xi1>, vector<16xf32>
      %select_n3A_53 = arith.select %gt3A_42, %get3A_41, %select_n3A_36 : vector<16xi1>, vector<16xf32>
      %get3A_54 = arith.constant 3 : i32
      %get3A_55 = arith.index_cast %get3A_54 : i32 to index
      %get3A_56 = arith.index_cast %mul3A_13 : i32 to index
      %get3A_57 = tpu.vector_load %arg5[%get3A_55, %get3A_56] {strides = array<i32>} : memref<64x1024xf32, #tpu.memory_space<vmem>>, vector<1x16xf32>,
      %get3A_58 = vector.shape_cast %get3A_57 : vector<1x16xf32> to vector<16xf32>
      %gt3A_59 = arith.cmpf ogt, %get3A_58, %select_n3A_53 : vector<16xf32>
      %gt3A_60 = arith.cmpf ogt, %get3A_58, %select_n3A_49 : vector<16xf32>
      %jit3A_61 = arith.constant 3.000000e+00 : f32
      %broadcast_in_dim3A_62 = vector.broadcast %jit3A_61 : f32 to vector<16xf32>
      %select_n3A_63 = arith.select %gt3A_60, %broadcast_in_dim3A_62, %select_n3A_47 : vector<16xi1>, vector<16xf32>
      %select_n3A_64 = arith.select %gt3A_59, %select_n3A_52, %select_n3A_63 : vector<16xi1>, vector<16xf32>
      %select_n3A_65 = arith.select %gt3A_60, %get3A_58, %select_n3A_49 : vector<16xi1>, vector<16xf32>
      %select_n3A_66 = arith.select %gt3A_59, %select_n3A_53, %select_n3A_65 : vector<16xi1>, vector<16xf32>
      %jit3A_67 = arith.constant 3.000000e+00 : f32
      %broadcast_in_dim3A_68 = vector.broadcast %jit3A_67 : f32 to vector<16xf32>
      %select_n3A_69 = arith.select %gt3A_59, %broadcast_in_dim3A_68, %select_n3A_52 : vector<16xi1>, vector<16xf32>
      %select_n3A_70 = arith.select %gt3A_59, %get3A_58, %select_n3A_53 : vector<16xi1>, vector<16xf32>
      %get3A_71 = arith.constant 4 : i32
      %get3A_72 = arith.index_cast %get3A_71 : i32 to index
      %get3A_73 = arith.index_cast %mul3A_13 : i32 to index
      %get3A_74 = tpu.vector_load %arg5[%get3A_72, %get3A_73] {strides = array<i32>} : memref<64x1024xf32, #tpu.memory_space<vmem>>, vector<1x16xf32>,
      %get3A_75 = vector.shape_cast %get3A_74 : vector<1x16xf32> to vector<16xf32>
      %gt3A_76 = arith.cmpf ogt, %get3A_75, %select_n3A_70 : vector<16xf32>
      %gt3A_77 = arith.cmpf ogt, %get3A_75, %select_n3A_66 : vector<16xf32>
      %jit3A_78 = arith.constant 4.000000e+00 : f32
      %broadcast_in_dim3A_79 = vector.broadcast %jit3A_78 : f32 to vector<16xf32>
      %select_n3A_80 = arith.select %gt3A_77, %broadcast_in_dim3A_79, %select_n3A_64 : vector<16xi1>, vector<16xf32>
      %select_n3A_81 = arith.select %gt3A_76, %select_n3A_69, %select_n3A_80 : vector<16xi1>, vector<16xf32>
      %select_n3A_82 = arith.select %gt3A_77, %get3A_75, %select_n3A_66 : vector<16xi1>, vector<16xf32>
      %select_n3A_83 = arith.select %gt3A_76, %select_n3A_70, %select_n3A_82 : vector<16xi1>, vector<16xf32>
      %jit3A_84 = arith.constant 4.000000e+00 : f32
      %broadcast_in_dim3A_85 = vector.broadcast %jit3A_84 : f32 to vector<16xf32>
      %select_n3A_86 = arith.select %gt3A_76, %broadcast_in_dim3A_85, %select_n3A_69 : vector<16xi1>, vector<16xf32>
      %select_n3A_87 = arith.select %gt3A_76, %get3A_75, %select_n3A_70 : vector<16xi1>, vector<16xf32>
      %get3A_88 = arith.constant 5 : i32
      %get3A_89 = arith.index_cast %get3A_88 : i32 to index
      %get3A_90 = arith.index_cast %mul3A_13 : i32 to index
      %get3A_91 = tpu.vector_load %arg5[%get3A_89, %get3A_90] {strides = array<i32>} : memref<64x1024xf32, #tpu.memory_space<vmem>>, vector<1x16xf32>,
      %get3A_92 = vector.shape_cast %get3A_91 : vector<1x16xf32> to vector<16xf32>
      %gt3A_93 = arith.cmpf ogt, %get3A_92, %select_n3A_87 : vector<16xf32>
      %gt3A_94 = arith.cmpf ogt, %get3A_92, %select_n3A_83 : vector<16xf32>
      %jit3A_95 = arith.constant 5.000000e+00 : f32
      %broadcast_in_dim3A_96 = vector.broadcast %jit3A_95 : f32 to vector<16xf32>
      %select_n3A_97 = arith.select %gt3A_94, %broadcast_in_dim3A_96, %select_n3A_81 : vector<16xi1>, vector<16xf32>
      %select_n3A_98 = arith.select %gt3A_93, %select_n3A_86, %select_n3A_97 : vector<16xi1>, vector<16xf32>
      %select_n3A_99 = arith.select %gt3A_94, %get3A_92, %select_n3A_83 : vector<16xi1>, vector<16xf32>
      %select_n3A_100 = arith.select %gt3A_93, %select_n3A_87, %select_n3A_99 : vector<16xi1>, vector<16xf32>
      %jit3A_101 = arith.constant 5.000000e+00 : f32
      %broadcast_in_dim3A_102 = vector.broadcast %jit3A_101 : f32 to vector<16xf32>
      %select_n3A_103 = arith.select %gt3A_93, %broadcast_in_dim3A_102, %select_n3A_86 : vector<16xi1>, vector<16xf32>
      %select_n3A_104 = arith.select %gt3A_93, %get3A_92, %select_n3A_87 : vector<16xi1>, vector<16xf32>
      %get3A_105 = arith.constant 6 : i32
      %get3A_106 = arith.index_cast %get3A_105 : i32 to index
      %get3A_107 = arith.index_cast %mul3A_13 : i32 to index
      %get3A_108 = tpu.vector_load %arg5[%get3A_106, %get3A_107] {strides = array<i32>} : memref<64x1024xf32, #tpu.memory_space<vmem>>, vector<1x16xf32>,
      %get3A_109 = vector.shape_cast %get3A_108 : vector<1x16xf32> to vector<16xf32>
      %gt3A_110 = arith.cmpf ogt, %get3A_109, %select_n3A_104 : vector<16xf32>
      %gt3A_111 = arith.cmpf ogt, %get3A_109, %select_n3A_100 : vector<16xf32>
      %jit3A_112 = arith.constant 6.000000e+00 : f32
      %broadcast_in_dim3A_113 = vector.broadcast %jit3A_112 : f32 to vector<16xf32>
      %select_n3A_114 = arith.select %gt3A_111, %broadcast_in_dim3A_113, %select_n3A_98 : vector<16xi1>, vector<16xf32>
      %select_n3A_115 = arith.select %gt3A_110, %select_n3A_103, %select_n3A_114 : vector<16xi1>, vector<16xf32>
      %select_n3A_116 = arith.select %gt3A_111, %get3A_109, %select_n3A_100 : vector<16xi1>, vector<16xf32>
      %select_n3A_117 = arith.select %gt3A_110, %select_n3A_104, %select_n3A_116 : vector<16xi1>, vector<16xf32>
      %jit3A_118 = arith.constant 6.000000e+00 : f32
      %broadcast_in_dim3A_119 = vector.broadcast %jit3A_118 : f32 to vector<16xf32>
      %select_n3A_120 = arith.select %gt3A_110, %broadcast_in_dim3A_119, %select_n3A_103 : vector<16xi1>, vector<16xf32>
      %select_n3A_121 = arith.select %gt3A_110, %get3A_109, %select_n3A_104 : vector<16xi1>, vector<16xf32>
      %get3A_122 = arith.constant 7 : i32
      %get3A_123 = arith.index_cast %get3A_122 : i32 to index
      %get3A_124 = arith.index_cast %mul3A_13 : i32 to index
      %get3A_125 = tpu.vector_load %arg5[%get3A_123, %get3A_124] {strides = array<i32>} : memref<64x1024xf32, #tpu.memory_space<vmem>>, vector<1x16xf32>,
      %get3A_126 = vector.shape_cast %get3A_125 : vector<1x16xf32> to vector<16xf32>
      %gt3A_127 = arith.cmpf ogt, %get3A_126, %select_n3A_121 : vector<16xf32>
      %gt3A_128 = arith.cmpf ogt, %get3A_126, %select_n3A_117 : vector<16xf32>
      %jit3A_129 = arith.constant 7.000000e+00 : f32
      %broadcast_in_dim3A_130 = vector.broadcast %jit3A_129 : f32 to vector<16xf32>
      %select_n3A_131 = arith.select %gt3A_128, %broadcast_in_dim3A_130, %select_n3A_115 : vector<16xi1>, vector<16xf32>
      %select_n3A_132 = arith.select %gt3A_127, %select_n3A_120, %select_n3A_131 : vector<16xi1>, vector<16xf32>
      %select_n3A_133 = arith.select %gt3A_128, %get3A_126, %select_n3A_117 : vector<16xi1>, vector<16xf32>
      %select_n3A_134 = arith.select %gt3A_127, %select_n3A_121, %select_n3A_133 : vector<16xi1>, vector<16xf32>
      %jit3A_135 = arith.constant 7.000000e+00 : f32
      %broadcast_in_dim3A_136 = vector.broadcast %jit3A_135 : f32 to vector<16xf32>
      %select_n3A_137 = arith.select %gt3A_127, %broadcast_in_dim3A_136, %select_n3A_120 : vector<16xi1>, vector<16xf32>
      %select_n3A_138 = arith.select %gt3A_127, %get3A_126, %select_n3A_121 : vector<16xi1>, vector<16xf32>
      %get3A_139 = arith.constant 8 : i32
      %get3A_140 = arith.index_cast %get3A_139 : i32 to index
      %get3A_141 = arith.index_cast %mul3A_13 : i32 to index
      %get3A_142 = tpu.vector_load %arg5[%get3A_140, %get3A_141] {strides = array<i32>} : memref<64x1024xf32, #tpu.memory_space<vmem>>, vector<1x16xf32>,
      %get3A_143 = vector.shape_cast %get3A_142 : vector<1x16xf32> to vector<16xf32>
      %gt3A_144 = arith.cmpf ogt, %get3A_143, %select_n3A_138 : vector<16xf32>
      %gt3A_145 = arith.cmpf ogt, %get3A_143, %select_n3A_134 : vector<16xf32>
      %jit3A_146 = arith.constant 8.000000e+00 : f32
      %broadcast_in_dim3A_147 = vector.broadcast %jit3A_146 : f32 to vector<16xf32>
      %select_n3A_148 = arith.select %gt3A_145, %broadcast_in_dim3A_147, %select_n3A_132 : vector<16xi1>, vector<16xf32>
      %select_n3A_149 = arith.select %gt3A_144, %select_n3A_137, %select_n3A_148 : vector<16xi1>, vector<16xf32>
      %select_n3A_150 = arith.select %gt3A_145, %get3A_143, %select_n3A_134 : vector<16xi1>, vector<16xf32>
      %select_n3A_151 = arith.select %gt3A_144, %select_n3A_138, %select_n3A_150 : vector<16xi1>, vector<16xf32>
      %jit3A_152 = arith.constant 8.000000e+00 : f32
      %broadcast_in_dim3A_153 = vector.broadcast %jit3A_152 : f32 to vector<16xf32>
      %select_n3A_154 = arith.select %gt3A_144, %broadcast_in_dim3A_153, %select_n3A_137 : vector<16xi1>, vector<16xf32>
      %select_n3A_155 = arith.select %gt3A_144, %get3A_143, %select_n3A_138 : vector<16xi1>, vector<16xf32>
      %get3A_156 = arith.constant 9 : i32
      %get3A_157 = arith.index_cast %get3A_156 : i32 to index
      %get3A_158 = arith.index_cast %mul3A_13 : i32 to index
      %get3A_159 = tpu.vector_load %arg5[%get3A_157, %get3A_158] {strides = array<i32>} : memref<64x1024xf32, #tpu.memory_space<vmem>>, vector<1x16xf32>,
      %get3A_160 = vector.shape_cast %get3A_159 : vector<1x16xf32> to vector<16xf32>
      %gt3A_161 = arith.cmpf ogt, %get3A_160, %select_n3A_155 : vector<16xf32>
      %gt3A_162 = arith.cmpf ogt, %get3A_160, %select_n3A_151 : vector<16xf32>
      %jit3A_163 = arith.constant 9.000000e+00 : f32
      %broadcast_in_dim3A_164 = vector.broadcast %jit3A_163 : f32 to vector<16xf32>
      %select_n3A_165 = arith.select %gt3A_162, %broadcast_in_dim3A_164, %select_n3A_149 : vector<16xi1>, vector<16xf32>
      %select_n3A_166 = arith.select %gt3A_161, %select_n3A_154, %select_n3A_165 : vector<16xi1>, vector<16xf32>
      %select_n3A_167 = arith.select %gt3A_162, %get3A_160, %select_n3A_151 : vector<16xi1>, vector<16xf32>
      %select_n3A_168 = arith.select %gt3A_161, %select_n3A_155, %select_n3A_167 : vector<16xi1>, vector<16xf32>
      %jit3A_169 = arith.constant 9.000000e+00 : f32
      %broadcast_in_dim3A_170 = vector.broadcast %jit3A_169 : f32 to vector<16xf32>
      %select_n3A_171 = arith.select %gt3A_161, %broadcast_in_dim3A_170, %select_n3A_154 : vector<16xi1>, vector<16xf32>
      %select_n3A_172 = arith.select %gt3A_161, %get3A_160, %select_n3A_155 : vector<16xi1>, vector<16xf32>
      %get3A_173 = arith.constant 10 : i32
      %get3A_174 = arith.index_cast %get3A_173 : i32 to index
      %get3A_175 = arith.index_cast %mul3A_13 : i32 to index
      %get3A_176 = tpu.vector_load %arg5[%get3A_174, %get3A_175] {strides = array<i32>} : memref<64x1024xf32, #tpu.memory_space<vmem>>, vector<1x16xf32>,
      %get3A_177 = vector.shape_cast %get3A_176 : vector<1x16xf32> to vector<16xf32>
      %gt3A_178 = arith.cmpf ogt, %get3A_177, %select_n3A_172 : vector<16xf32>
      %gt3A_179 = arith.cmpf ogt, %get3A_177, %select_n3A_168 : vector<16xf32>
      %jit3A_180 = arith.constant 1.000000e+01 : f32
      %broadcast_in_dim3A_181 = vector.broadcast %jit3A_180 : f32 to vector<16xf32>
      %select_n3A_182 = arith.select %gt3A_179, %broadcast_in_dim3A_181, %select_n3A_166 : vector<16xi1>, vector<16xf32>
      %select_n3A_183 = arith.select %gt3A_178, %select_n3A_171, %select_n3A_182 : vector<16xi1>, vector<16xf32>
      %select_n3A_184 = arith.select %gt3A_179, %get3A_177, %select_n3A_168 : vector<16xi1>, vector<16xf32>
      %select_n3A_185 = arith.select %gt3A_178, %select_n3A_172, %select_n3A_184 : vector<16xi1>, vector<16xf32>
      %jit3A_186 = arith.constant 1.000000e+01 : f32
      %broadcast_in_dim3A_187 = vector.broadcast %jit3A_186 : f32 to vector<16xf32>
      %select_n3A_188 = arith.select %gt3A_178, %broadcast_in_dim3A_187, %select_n3A_171 : vector<16xi1>, vector<16xf32>
      %select_n3A_189 = arith.select %gt3A_178, %get3A_177, %select_n3A_172 : vector<16xi1>, vector<16xf32>
      %get3A_190 = arith.constant 11 : i32
      %get3A_191 = arith.index_cast %get3A_190 : i32 to index
      %get3A_192 = arith.index_cast %mul3A_13 : i32 to index
      %get3A_193 = tpu.vector_load %arg5[%get3A_191, %get3A_192] {strides = array<i32>} : memref<64x1024xf32, #tpu.memory_space<vmem>>, vector<1x16xf32>,
      %get3A_194 = vector.shape_cast %get3A_193 : vector<1x16xf32> to vector<16xf32>
      %gt3A_195 = arith.cmpf ogt, %get3A_194, %select_n3A_189 : vector<16xf32>
      %gt3A_196 = arith.cmpf ogt, %get3A_194, %select_n3A_185 : vector<16xf32>
      %jit3A_197 = arith.constant 1.100000e+01 : f32
      %broadcast_in_dim3A_198 = vector.broadcast %jit3A_197 : f32 to vector<16xf32>
      %select_n3A_199 = arith.select %gt3A_196, %broadcast_in_dim3A_198, %select_n3A_183 : vector<16xi1>, vector<16xf32>
      %select_n3A_200 = arith.select %gt3A_195, %select_n3A_188, %select_n3A_199 : vector<16xi1>, vector<16xf32>
      %select_n3A_201 = arith.select %gt3A_196, %get3A_194, %select_n3A_185 : vector<16xi1>, vector<16xf32>
      %select_n3A_202 = arith.select %gt3A_195, %select_n3A_189, %select_n3A_201 : vector<16xi1>, vector<16xf32>
      %jit3A_203 = arith.constant 1.100000e+01 : f32
      %broadcast_in_dim3A_204 = vector.broadcast %jit3A_203 : f32 to vector<16xf32>
      %select_n3A_205 = arith.select %gt3A_195, %broadcast_in_dim3A_204, %select_n3A_188 : vector<16xi1>, vector<16xf32>
      %select_n3A_206 = arith.select %gt3A_195, %get3A_194, %select_n3A_189 : vector<16xi1>, vector<16xf32>
      %get3A_207 = arith.constant 12 : i32
      %get3A_208 = arith.index_cast %get3A_207 : i32 to index
      %get3A_209 = arith.index_cast %mul3A_13 : i32 to index
      %get3A_210 = tpu.vector_load %arg5[%get3A_208, %get3A_209] {strides = array<i32>} : memref<64x1024xf32, #tpu.memory_space<vmem>>, vector<1x16xf32>,
      %get3A_211 = vector.shape_cast %get3A_210 : vector<1x16xf32> to vector<16xf32>
      %gt3A_212 = arith.cmpf ogt, %get3A_211, %select_n3A_206 : vector<16xf32>
      %gt3A_213 = arith.cmpf ogt, %get3A_211, %select_n3A_202 : vector<16xf32>
      %jit3A_214 = arith.constant 1.200000e+01 : f32
      %broadcast_in_dim3A_215 = vector.broadcast %jit3A_214 : f32 to vector<16xf32>
      %select_n3A_216 = arith.select %gt3A_213, %broadcast_in_dim3A_215, %select_n3A_200 : vector<16xi1>, vector<16xf32>
      %select_n3A_217 = arith.select %gt3A_212, %select_n3A_205, %select_n3A_216 : vector<16xi1>, vector<16xf32>
      %select_n3A_218 = arith.select %gt3A_213, %get3A_211, %select_n3A_202 : vector<16xi1>, vector<16xf32>
      %select_n3A_219 = arith.select %gt3A_212, %select_n3A_206, %select_n3A_218 : vector<16xi1>, vector<16xf32>
      %jit3A_220 = arith.constant 1.200000e+01 : f32
      %broadcast_in_dim3A_221 = vector.broadcast %jit3A_220 : f32 to vector<16xf32>
      %select_n3A_222 = arith.select %gt3A_212, %broadcast_in_dim3A_221, %select_n3A_205 : vector<16xi1>, vector<16xf32>
      %select_n3A_223 = arith.select %gt3A_212, %get3A_211, %select_n3A_206 : vector<16xi1>, vector<16xf32>
      %get3A_224 = arith.constant 13 : i32
      %get3A_225 = arith.index_cast %get3A_224 : i32 to index
      %get3A_226 = arith.index_cast %mul3A_13 : i32 to index
      %get3A_227 = tpu.vector_load %arg5[%get3A_225, %get3A_226] {strides = array<i32>} : memref<64x1024xf32, #tpu.memory_space<vmem>>, vector<1x16xf32>,
      %get3A_228 = vector.shape_cast %get3A_227 : vector<1x16xf32> to vector<16xf32>
      %gt3A_229 = arith.cmpf ogt, %get3A_228, %select_n3A_223 : vector<16xf32>
      %gt3A_230 = arith.cmpf ogt, %get3A_228, %select_n3A_219 : vector<16xf32>
      %jit3A_231 = arith.constant 1.300000e+01 : f32
      %broadcast_in_dim3A_232 = vector.broadcast %jit3A_231 : f32 to vector<16xf32>
      %select_n3A_233 = arith.select %gt3A_230, %broadcast_in_dim3A_232, %select_n3A_217 : vector<16xi1>, vector<16xf32>
      %select_n3A_234 = arith.select %gt3A_229, %select_n3A_222, %select_n3A_233 : vector<16xi1>, vector<16xf32>
      %select_n3A_235 = arith.select %gt3A_230, %get3A_228, %select_n3A_219 : vector<16xi1>, vector<16xf32>
      %select_n3A_236 = arith.select %gt3A_229, %select_n3A_223, %select_n3A_235 : vector<16xi1>, vector<16xf32>
      %jit3A_237 = arith.constant 1.300000e+01 : f32
      %broadcast_in_dim3A_238 = vector.broadcast %jit3A_237 : f32 to vector<16xf32>
      %select_n3A_239 = arith.select %gt3A_229, %broadcast_in_dim3A_238, %select_n3A_222 : vector<16xi1>, vector<16xf32>
      %select_n3A_240 = arith.select %gt3A_229, %get3A_228, %select_n3A_223 : vector<16xi1>, vector<16xf32>
      %get3A_241 = arith.constant 14 : i32
      %get3A_242 = arith.index_cast %get3A_241 : i32 to index
      %get3A_243 = arith.index_cast %mul3A_13 : i32 to index
      %get3A_244 = tpu.vector_load %arg5[%get3A_242, %get3A_243] {strides = array<i32>} : memref<64x1024xf32, #tpu.memory_space<vmem>>, vector<1x16xf32>,
      %get3A_245 = vector.shape_cast %get3A_244 : vector<1x16xf32> to vector<16xf32>
      %gt3A_246 = arith.cmpf ogt, %get3A_245, %select_n3A_240 : vector<16xf32>
      %gt3A_247 = arith.cmpf ogt, %get3A_245, %select_n3A_236 : vector<16xf32>
      %jit3A_248 = arith.constant 1.400000e+01 : f32
      %broadcast_in_dim3A_249 = vector.broadcast %jit3A_248 : f32 to vector<16xf32>
      %select_n3A_250 = arith.select %gt3A_247, %broadcast_in_dim3A_249, %select_n3A_234 : vector<16xi1>, vector<16xf32>
      %select_n3A_251 = arith.select %gt3A_246, %select_n3A_239, %select_n3A_250 : vector<16xi1>, vector<16xf32>
      %select_n3A_252 = arith.select %gt3A_247, %get3A_245, %select_n3A_236 : vector<16xi1>, vector<16xf32>
      %select_n3A_253 = arith.select %gt3A_246, %select_n3A_240, %select_n3A_252 : vector<16xi1>, vector<16xf32>
      %jit3A_254 = arith.constant 1.400000e+01 : f32
      %broadcast_in_dim3A_255 = vector.broadcast %jit3A_254 : f32 to vector<16xf32>
      %select_n3A_256 = arith.select %gt3A_246, %broadcast_in_dim3A_255, %select_n3A_239 : vector<16xi1>, vector<16xf32>
      %select_n3A_257 = arith.select %gt3A_246, %get3A_245, %select_n3A_240 : vector<16xi1>, vector<16xf32>
      %get3A_258 = arith.constant 15 : i32
      %get3A_259 = arith.index_cast %get3A_258 : i32 to index
      %get3A_260 = arith.index_cast %mul3A_13 : i32 to index
      %get3A_261 = tpu.vector_load %arg5[%get3A_259, %get3A_260] {strides = array<i32>} : memref<64x1024xf32, #tpu.memory_space<vmem>>, vector<1x16xf32>,
      %get3A_262 = vector.shape_cast %get3A_261 : vector<1x16xf32> to vector<16xf32>
      %gt3A_263 = arith.cmpf ogt, %get3A_262, %select_n3A_257 : vector<16xf32>
      %gt3A_264 = arith.cmpf ogt, %get3A_262, %select_n3A_253 : vector<16xf32>
      %jit3A_265 = arith.constant 1.500000e+01 : f32
      %broadcast_in_dim3A_266 = vector.broadcast %jit3A_265 : f32 to vector<16xf32>
      %select_n3A_267 = arith.select %gt3A_264, %broadcast_in_dim3A_266, %select_n3A_251 : vector<16xi1>, vector<16xf32>
      %select_n3A_268 = arith.select %gt3A_263, %select_n3A_256, %select_n3A_267 : vector<16xi1>, vector<16xf32>
      %select_n3A_269 = arith.select %gt3A_264, %get3A_262, %select_n3A_253 : vector<16xi1>, vector<16xf32>
      %select_n3A_270 = arith.select %gt3A_263, %select_n3A_257, %select_n3A_269 : vector<16xi1>, vector<16xf32>
      %jit3A_271 = arith.constant 1.500000e+01 : f32
      %broadcast_in_dim3A_272 = vector.broadcast %jit3A_271 : f32 to vector<16xf32>
      %select_n3A_273 = arith.select %gt3A_263, %broadcast_in_dim3A_272, %select_n3A_256 : vector<16xi1>, vector<16xf32>
      %select_n3A_274 = arith.select %gt3A_263, %get3A_262, %select_n3A_257 : vector<16xi1>, vector<16xf32>
      %get3A_275 = arith.constant 16 : i32
      %get3A_276 = arith.index_cast %get3A_275 : i32 to index
      %get3A_277 = arith.index_cast %mul3A_13 : i32 to index
      %get3A_278 = tpu.vector_load %arg5[%get3A_276, %get3A_277] {strides = array<i32>} : memref<64x1024xf32, #tpu.memory_space<vmem>>, vector<1x16xf32>,
      %get3A_279 = vector.shape_cast %get3A_278 : vector<1x16xf32> to vector<16xf32>
      %gt3A_280 = arith.cmpf ogt, %get3A_279, %select_n3A_274 : vector<16xf32>
      %gt3A_281 = arith.cmpf ogt, %get3A_279, %select_n3A_270 : vector<16xf32>
      %jit3A_282 = arith.constant 1.600000e+01 : f32
      %broadcast_in_dim3A_283 = vector.broadcast %jit3A_282 : f32 to vector<16xf32>
      %select_n3A_284 = arith.select %gt3A_281, %broadcast_in_dim3A_283, %select_n3A_268 : vector<16xi1>, vector<16xf32>
      %select_n3A_285 = arith.select %gt3A_280, %select_n3A_273, %select_n3A_284 : vector<16xi1>, vector<16xf32>
      %select_n3A_286 = arith.select %gt3A_281, %get3A_279, %select_n3A_270 : vector<16xi1>, vector<16xf32>
      %select_n3A_287 = arith.select %gt3A_280, %select_n3A_274, %select_n3A_286 : vector<16xi1>, vector<16xf32>
      %jit3A_288 = arith.constant 1.600000e+01 : f32
      %broadcast_in_dim3A_289 = vector.broadcast %jit3A_288 : f32 to vector<16xf32>
      %select_n3A_290 = arith.select %gt3A_280, %broadcast_in_dim3A_289, %select_n3A_273 : vector<16xi1>, vector<16xf32>
      %select_n3A_291 = arith.select %gt3A_280, %get3A_279, %select_n3A_274 : vector<16xi1>, vector<16xf32>
      %get3A_292 = arith.constant 17 : i32
      %get3A_293 = arith.index_cast %get3A_292 : i32 to index
      %get3A_294 = arith.index_cast %mul3A_13 : i32 to index
      %get3A_295 = tpu.vector_load %arg5[%get3A_293, %get3A_294] {strides = array<i32>} : memref<64x1024xf32, #tpu.memory_space<vmem>>, vector<1x16xf32>,
      %get3A_296 = vector.shape_cast %get3A_295 : vector<1x16xf32> to vector<16xf32>
      %gt3A_297 = arith.cmpf ogt, %get3A_296, %select_n3A_291 : vector<16xf32>
      %gt3A_298 = arith.cmpf ogt, %get3A_296, %select_n3A_287 : vector<16xf32>
      %jit3A_299 = arith.constant 1.700000e+01 : f32
      %broadcast_in_dim3A_300 = vector.broadcast %jit3A_299 : f32 to vector<16xf32>
      %select_n3A_301 = arith.select %gt3A_298, %broadcast_in_dim3A_300, %select_n3A_285 : vector<16xi1>, vector<16xf32>
      %select_n3A_302 = arith.select %gt3A_297, %select_n3A_290, %select_n3A_301 : vector<16xi1>, vector<16xf32>
      %select_n3A_303 = arith.select %gt3A_298, %get3A_296, %select_n3A_287 : vector<16xi1>, vector<16xf32>
      %select_n3A_304 = arith.select %gt3A_297, %select_n3A_291, %select_n3A_303 : vector<16xi1>, vector<16xf32>
      %jit3A_305 = arith.constant 1.700000e+01 : f32
      %broadcast_in_dim3A_306 = vector.broadcast %jit3A_305 : f32 to vector<16xf32>
      %select_n3A_307 = arith.select %gt3A_297, %broadcast_in_dim3A_306, %select_n3A_290 : vector<16xi1>, vector<16xf32>
      %select_n3A_308 = arith.select %gt3A_297, %get3A_296, %select_n3A_291 : vector<16xi1>, vector<16xf32>
      %get3A_309 = arith.constant 18 : i32
      %get3A_310 = arith.index_cast %get3A_309 : i32 to index
      %get3A_311 = arith.index_cast %mul3A_13 : i32 to index
      %get3A_312 = tpu.vector_load %arg5[%get3A_310, %get3A_311] {strides = array<i32>} : memref<64x1024xf32, #tpu.memory_space<vmem>>, vector<1x16xf32>,
      %get3A_313 = vector.shape_cast %get3A_312 : vector<1x16xf32> to vector<16xf32>
      %gt3A_314 = arith.cmpf ogt, %get3A_313, %select_n3A_308 : vector<16xf32>
      %gt3A_315 = arith.cmpf ogt, %get3A_313, %select_n3A_304 : vector<16xf32>
      %jit3A_316 = arith.constant 1.800000e+01 : f32
      %broadcast_in_dim3A_317 = vector.broadcast %jit3A_316 : f32 to vector<16xf32>
      %select_n3A_318 = arith.select %gt3A_315, %broadcast_in_dim3A_317, %select_n3A_302 : vector<16xi1>, vector<16xf32>
      %select_n3A_319 = arith.select %gt3A_314, %select_n3A_307, %select_n3A_318 : vector<16xi1>, vector<16xf32>
      %select_n3A_320 = arith.select %gt3A_315, %get3A_313, %select_n3A_304 : vector<16xi1>, vector<16xf32>
      %select_n3A_321 = arith.select %gt3A_314, %select_n3A_308, %select_n3A_320 : vector<16xi1>, vector<16xf32>
      %jit3A_322 = arith.constant 1.800000e+01 : f32
      %broadcast_in_dim3A_323 = vector.broadcast %jit3A_322 : f32 to vector<16xf32>
      %select_n3A_324 = arith.select %gt3A_314, %broadcast_in_dim3A_323, %select_n3A_307 : vector<16xi1>, vector<16xf32>
      %select_n3A_325 = arith.select %gt3A_314, %get3A_313, %select_n3A_308 : vector<16xi1>, vector<16xf32>
      %get3A_326 = arith.constant 19 : i32
      %get3A_327 = arith.index_cast %get3A_326 : i32 to index
      %get3A_328 = arith.index_cast %mul3A_13 : i32 to index
      %get3A_329 = tpu.vector_load %arg5[%get3A_327, %get3A_328] {strides = array<i32>} : memref<64x1024xf32, #tpu.memory_space<vmem>>, vector<1x16xf32>,
      %get3A_330 = vector.shape_cast %get3A_329 : vector<1x16xf32> to vector<16xf32>
      %gt3A_331 = arith.cmpf ogt, %get3A_330, %select_n3A_325 : vector<16xf32>
      %gt3A_332 = arith.cmpf ogt, %get3A_330, %select_n3A_321 : vector<16xf32>
      %jit3A_333 = arith.constant 1.900000e+01 : f32
      %broadcast_in_dim3A_334 = vector.broadcast %jit3A_333 : f32 to vector<16xf32>
      %select_n3A_335 = arith.select %gt3A_332, %broadcast_in_dim3A_334, %select_n3A_319 : vector<16xi1>, vector<16xf32>
      %select_n3A_336 = arith.select %gt3A_331, %select_n3A_324, %select_n3A_335 : vector<16xi1>, vector<16xf32>
      %select_n3A_337 = arith.select %gt3A_332, %get3A_330, %select_n3A_321 : vector<16xi1>, vector<16xf32>
      %select_n3A_338 = arith.select %gt3A_331, %select_n3A_325, %select_n3A_337 : vector<16xi1>, vector<16xf32>
      %jit3A_339 = arith.constant 1.900000e+01 : f32
      %broadcast_in_dim3A_340 = vector.broadcast %jit3A_339 : f32 to vector<16xf32>
      %select_n3A_341 = arith.select %gt3A_331, %broadcast_in_dim3A_340, %select_n3A_324 : vector<16xi1>, vector<16xf32>
      %select_n3A_342 = arith.select %gt3A_331, %get3A_330, %select_n3A_325 : vector<16xi1>, vector<16xf32>
      %get3A_343 = arith.constant 20 : i32
      %get3A_344 = arith.index_cast %get3A_343 : i32 to index
      %get3A_345 = arith.index_cast %mul3A_13 : i32 to index
      %get3A_346 = tpu.vector_load %arg5[%get3A_344, %get3A_345] {strides = array<i32>} : memref<64x1024xf32, #tpu.memory_space<vmem>>, vector<1x16xf32>,
      %get3A_347 = vector.shape_cast %get3A_346 : vector<1x16xf32> to vector<16xf32>
      %gt3A_348 = arith.cmpf ogt, %get3A_347, %select_n3A_342 : vector<16xf32>
      %gt3A_349 = arith.cmpf ogt, %get3A_347, %select_n3A_338 : vector<16xf32>
      %jit3A_350 = arith.constant 2.000000e+01 : f32
      %broadcast_in_dim3A_351 = vector.broadcast %jit3A_350 : f32 to vector<16xf32>
      %select_n3A_352 = arith.select %gt3A_349, %broadcast_in_dim3A_351, %select_n3A_336 : vector<16xi1>, vector<16xf32>
      %select_n3A_353 = arith.select %gt3A_348, %select_n3A_341, %select_n3A_352 : vector<16xi1>, vector<16xf32>
      %select_n3A_354 = arith.select %gt3A_349, %get3A_347, %select_n3A_338 : vector<16xi1>, vector<16xf32>
      %select_n3A_355 = arith.select %gt3A_348, %select_n3A_342, %select_n3A_354 : vector<16xi1>, vector<16xf32>
      %jit3A_356 = arith.constant 2.000000e+01 : f32
      %broadcast_in_dim3A_357 = vector.broadcast %jit3A_356 : f32 to vector<16xf32>
      %select_n3A_358 = arith.select %gt3A_348, %broadcast_in_dim3A_357, %select_n3A_341 : vector<16xi1>, vector<16xf32>
      %select_n3A_359 = arith.select %gt3A_348, %get3A_347, %select_n3A_342 : vector<16xi1>, vector<16xf32>
      %get3A_360 = arith.constant 21 : i32
      %get3A_361 = arith.index_cast %get3A_360 : i32 to index
      %get3A_362 = arith.index_cast %mul3A_13 : i32 to index
      %get3A_363 = tpu.vector_load %arg5[%get3A_361, %get3A_362] {strides = array<i32>} : memref<64x1024xf32, #tpu.memory_space<vmem>>, vector<1x16xf32>,
      %get3A_364 = vector.shape_cast %get3A_363 : vector<1x16xf32> to vector<16xf32>
      %gt3A_365 = arith.cmpf ogt, %get3A_364, %select_n3A_359 : vector<16xf32>
      %gt3A_366 = arith.cmpf ogt, %get3A_364, %select_n3A_355 : vector<16xf32>
      %jit3A_367 = arith.constant 2.100000e+01 : f32
      %broadcast_in_dim3A_368 = vector.broadcast %jit3A_367 : f32 to vector<16xf32>
      %select_n3A_369 = arith.select %gt3A_366, %broadcast_in_dim3A_368, %select_n3A_353 : vector<16xi1>, vector<16xf32>
      %select_n3A_370 = arith.select %gt3A_365, %select_n3A_358, %select_n3A_369 : vector<16xi1>, vector<16xf32>
      %select_n3A_371 = arith.select %gt3A_366, %get3A_364, %select_n3A_355 : vector<16xi1>, vector<16xf32>
      %select_n3A_372 = arith.select %gt3A_365, %select_n3A_359, %select_n3A_371 : vector<16xi1>, vector<16xf32>
      %jit3A_373 = arith.constant 2.100000e+01 : f32
      %broadcast_in_dim3A_374 = vector.broadcast %jit3A_373 : f32 to vector<16xf32>
      %select_n3A_375 = arith.select %gt3A_365, %broadcast_in_dim3A_374, %select_n3A_358 : vector<16xi1>, vector<16xf32>
      %select_n3A_376 = arith.select %gt3A_365, %get3A_364, %select_n3A_359 : vector<16xi1>, vector<16xf32>
      %get3A_377 = arith.constant 22 : i32
      %get3A_378 = arith.index_cast %get3A_377 : i32 to index
      %get3A_379 = arith.index_cast %mul3A_13 : i32 to index
      %get3A_380 = tpu.vector_load %arg5[%get3A_378, %get3A_379] {strides = array<i32>} : memref<64x1024xf32, #tpu.memory_space<vmem>>, vector<1x16xf32>,
      %get3A_381 = vector.shape_cast %get3A_380 : vector<1x16xf32> to vector<16xf32>
      %gt3A_382 = arith.cmpf ogt, %get3A_381, %select_n3A_376 : vector<16xf32>
      %gt3A_383 = arith.cmpf ogt, %get3A_381, %select_n3A_372 : vector<16xf32>
      %jit3A_384 = arith.constant 2.200000e+01 : f32
      %broadcast_in_dim3A_385 = vector.broadcast %jit3A_384 : f32 to vector<16xf32>
      %select_n3A_386 = arith.select %gt3A_383, %broadcast_in_dim3A_385, %select_n3A_370 : vector<16xi1>, vector<16xf32>
      %select_n3A_387 = arith.select %gt3A_382, %select_n3A_375, %select_n3A_386 : vector<16xi1>, vector<16xf32>
      %select_n3A_388 = arith.select %gt3A_383, %get3A_381, %select_n3A_372 : vector<16xi1>, vector<16xf32>
      %select_n3A_389 = arith.select %gt3A_382, %select_n3A_376, %select_n3A_388 : vector<16xi1>, vector<16xf32>
      %jit3A_390 = arith.constant 2.200000e+01 : f32
      %broadcast_in_dim3A_391 = vector.broadcast %jit3A_390 : f32 to vector<16xf32>
      %select_n3A_392 = arith.select %gt3A_382, %broadcast_in_dim3A_391, %select_n3A_375 : vector<16xi1>, vector<16xf32>
      %select_n3A_393 = arith.select %gt3A_382, %get3A_381, %select_n3A_376 : vector<16xi1>, vector<16xf32>
      %get3A_394 = arith.constant 23 : i32
      %get3A_395 = arith.index_cast %get3A_394 : i32 to index
      %get3A_396 = arith.index_cast %mul3A_13 : i32 to index
      %get3A_397 = tpu.vector_load %arg5[%get3A_395, %get3A_396] {strides = array<i32>} : memref<64x1024xf32, #tpu.memory_space<vmem>>, vector<1x16xf32>,
      %get3A_398 = vector.shape_cast %get3A_397 : vector<1x16xf32> to vector<16xf32>
      %gt3A_399 = arith.cmpf ogt, %get3A_398, %select_n3A_393 : vector<16xf32>
      %gt3A_400 = arith.cmpf ogt, %get3A_398, %select_n3A_389 : vector<16xf32>
      %jit3A_401 = arith.constant 2.300000e+01 : f32
      %broadcast_in_dim3A_402 = vector.broadcast %jit3A_401 : f32 to vector<16xf32>
      %select_n3A_403 = arith.select %gt3A_400, %broadcast_in_dim3A_402, %select_n3A_387 : vector<16xi1>, vector<16xf32>
      %select_n3A_404 = arith.select %gt3A_399, %select_n3A_392, %select_n3A_403 : vector<16xi1>, vector<16xf32>
      %select_n3A_405 = arith.select %gt3A_400, %get3A_398, %select_n3A_389 : vector<16xi1>, vector<16xf32>
      %select_n3A_406 = arith.select %gt3A_399, %select_n3A_393, %select_n3A_405 : vector<16xi1>, vector<16xf32>
      %jit3A_407 = arith.constant 2.300000e+01 : f32
      %broadcast_in_dim3A_408 = vector.broadcast %jit3A_407 : f32 to vector<16xf32>
      %select_n3A_409 = arith.select %gt3A_399, %broadcast_in_dim3A_408, %select_n3A_392 : vector<16xi1>, vector<16xf32>
      %select_n3A_410 = arith.select %gt3A_399, %get3A_398, %select_n3A_393 : vector<16xi1>, vector<16xf32>
      %get3A_411 = arith.constant 24 : i32
      %get3A_412 = arith.index_cast %get3A_411 : i32 to index
      %get3A_413 = arith.index_cast %mul3A_13 : i32 to index
      %get3A_414 = tpu.vector_load %arg5[%get3A_412, %get3A_413] {strides = array<i32>} : memref<64x1024xf32, #tpu.memory_space<vmem>>, vector<1x16xf32>,
      %get3A_415 = vector.shape_cast %get3A_414 : vector<1x16xf32> to vector<16xf32>
      %gt3A_416 = arith.cmpf ogt, %get3A_415, %select_n3A_410 : vector<16xf32>
      %gt3A_417 = arith.cmpf ogt, %get3A_415, %select_n3A_406 : vector<16xf32>
      %jit3A_418 = arith.constant 2.400000e+01 : f32
      %broadcast_in_dim3A_419 = vector.broadcast %jit3A_418 : f32 to vector<16xf32>
      %select_n3A_420 = arith.select %gt3A_417, %broadcast_in_dim3A_419, %select_n3A_404 : vector<16xi1>, vector<16xf32>
      %select_n3A_421 = arith.select %gt3A_416, %select_n3A_409, %select_n3A_420 : vector<16xi1>, vector<16xf32>
      %select_n3A_422 = arith.select %gt3A_417, %get3A_415, %select_n3A_406 : vector<16xi1>, vector<16xf32>
      %select_n3A_423 = arith.select %gt3A_416, %select_n3A_410, %select_n3A_422 : vector<16xi1>, vector<16xf32>
      %jit3A_424 = arith.constant 2.400000e+01 : f32
      %broadcast_in_dim3A_425 = vector.broadcast %jit3A_424 : f32 to vector<16xf32>
      %select_n3A_426 = arith.select %gt3A_416, %broadcast_in_dim3A_425, %select_n3A_409 : vector<16xi1>, vector<16xf32>
      %select_n3A_427 = arith.select %gt3A_416, %get3A_415, %select_n3A_410 : vector<16xi1>, vector<16xf32>
      %get3A_428 = arith.constant 25 : i32
      %get3A_429 = arith.index_cast %get3A_428 : i32 to index
      %get3A_430 = arith.index_cast %mul3A_13 : i32 to index
      %get3A_431 = tpu.vector_load %arg5[%get3A_429, %get3A_430] {strides = array<i32>} : memref<64x1024xf32, #tpu.memory_space<vmem>>, vector<1x16xf32>,
      %get3A_432 = vector.shape_cast %get3A_431 : vector<1x16xf32> to vector<16xf32>
      %gt3A_433 = arith.cmpf ogt, %get3A_432, %select_n3A_427 : vector<16xf32>
      %gt3A_434 = arith.cmpf ogt, %get3A_432, %select_n3A_423 : vector<16xf32>
      %jit3A_435 = arith.constant 2.500000e+01 : f32
      %broadcast_in_dim3A_436 = vector.broadcast %jit3A_435 : f32 to vector<16xf32>
      %select_n3A_437 = arith.select %gt3A_434, %broadcast_in_dim3A_436, %select_n3A_421 : vector<16xi1>, vector<16xf32>
      %select_n3A_438 = arith.select %gt3A_433, %select_n3A_426, %select_n3A_437 : vector<16xi1>, vector<16xf32>
      %select_n3A_439 = arith.select %gt3A_434, %get3A_432, %select_n3A_423 : vector<16xi1>, vector<16xf32>
      %select_n3A_440 = arith.select %gt3A_433, %select_n3A_427, %select_n3A_439 : vector<16xi1>, vector<16xf32>
      %jit3A_441 = arith.constant 2.500000e+01 : f32
      %broadcast_in_dim3A_442 = vector.broadcast %jit3A_441 : f32 to vector<16xf32>
      %select_n3A_443 = arith.select %gt3A_433, %broadcast_in_dim3A_442, %select_n3A_426 : vector<16xi1>, vector<16xf32>
      %select_n3A_444 = arith.select %gt3A_433, %get3A_432, %select_n3A_427 : vector<16xi1>, vector<16xf32>
      %get3A_445 = arith.constant 26 : i32
      %get3A_446 = arith.index_cast %get3A_445 : i32 to index
      %get3A_447 = arith.index_cast %mul3A_13 : i32 to index
      %get3A_448 = tpu.vector_load %arg5[%get3A_446, %get3A_447] {strides = array<i32>} : memref<64x1024xf32, #tpu.memory_space<vmem>>, vector<1x16xf32>,
      %get3A_449 = vector.shape_cast %get3A_448 : vector<1x16xf32> to vector<16xf32>
      %gt3A_450 = arith.cmpf ogt, %get3A_449, %select_n3A_444 : vector<16xf32>
      %gt3A_451 = arith.cmpf ogt, %get3A_449, %select_n3A_440 : vector<16xf32>
      %jit3A_452 = arith.constant 2.600000e+01 : f32
      %broadcast_in_dim3A_453 = vector.broadcast %jit3A_452 : f32 to vector<16xf32>
      %select_n3A_454 = arith.select %gt3A_451, %broadcast_in_dim3A_453, %select_n3A_438 : vector<16xi1>, vector<16xf32>
      %select_n3A_455 = arith.select %gt3A_450, %select_n3A_443, %select_n3A_454 : vector<16xi1>, vector<16xf32>
      %select_n3A_456 = arith.select %gt3A_451, %get3A_449, %select_n3A_440 : vector<16xi1>, vector<16xf32>
      %select_n3A_457 = arith.select %gt3A_450, %select_n3A_444, %select_n3A_456 : vector<16xi1>, vector<16xf32>
      %jit3A_458 = arith.constant 2.600000e+01 : f32
      %broadcast_in_dim3A_459 = vector.broadcast %jit3A_458 : f32 to vector<16xf32>
      %select_n3A_460 = arith.select %gt3A_450, %broadcast_in_dim3A_459, %select_n3A_443 : vector<16xi1>, vector<16xf32>
      %select_n3A_461 = arith.select %gt3A_450, %get3A_449, %select_n3A_444 : vector<16xi1>, vector<16xf32>
      %get3A_462 = arith.constant 27 : i32
      %get3A_463 = arith.index_cast %get3A_462 : i32 to index
      %get3A_464 = arith.index_cast %mul3A_13 : i32 to index
      %get3A_465 = tpu.vector_load %arg5[%get3A_463, %get3A_464] {strides = array<i32>} : memref<64x1024xf32, #tpu.memory_space<vmem>>, vector<1x16xf32>,
      %get3A_466 = vector.shape_cast %get3A_465 : vector<1x16xf32> to vector<16xf32>
      %gt3A_467 = arith.cmpf ogt, %get3A_466, %select_n3A_461 : vector<16xf32>
      %gt3A_468 = arith.cmpf ogt, %get3A_466, %select_n3A_457 : vector<16xf32>
      %jit3A_469 = arith.constant 2.700000e+01 : f32
      %broadcast_in_dim3A_470 = vector.broadcast %jit3A_469 : f32 to vector<16xf32>
      %select_n3A_471 = arith.select %gt3A_468, %broadcast_in_dim3A_470, %select_n3A_455 : vector<16xi1>, vector<16xf32>
      %select_n3A_472 = arith.select %gt3A_467, %select_n3A_460, %select_n3A_471 : vector<16xi1>, vector<16xf32>
      %select_n3A_473 = arith.select %gt3A_468, %get3A_466, %select_n3A_457 : vector<16xi1>, vector<16xf32>
      %select_n3A_474 = arith.select %gt3A_467, %select_n3A_461, %select_n3A_473 : vector<16xi1>, vector<16xf32>
      %jit3A_475 = arith.constant 2.700000e+01 : f32
      %broadcast_in_dim3A_476 = vector.broadcast %jit3A_475 : f32 to vector<16xf32>
      %select_n3A_477 = arith.select %gt3A_467, %broadcast_in_dim3A_476, %select_n3A_460 : vector<16xi1>, vector<16xf32>
      %select_n3A_478 = arith.select %gt3A_467, %get3A_466, %select_n3A_461 : vector<16xi1>, vector<16xf32>
      %get3A_479 = arith.constant 28 : i32
      %get3A_480 = arith.index_cast %get3A_479 : i32 to index
      %get3A_481 = arith.index_cast %mul3A_13 : i32 to index
      %get3A_482 = tpu.vector_load %arg5[%get3A_480, %get3A_481] {strides = array<i32>} : memref<64x1024xf32, #tpu.memory_space<vmem>>, vector<1x16xf32>,
      %get3A_483 = vector.shape_cast %get3A_482 : vector<1x16xf32> to vector<16xf32>
      %gt3A_484 = arith.cmpf ogt, %get3A_483, %select_n3A_478 : vector<16xf32>
      %gt3A_485 = arith.cmpf ogt, %get3A_483, %select_n3A_474 : vector<16xf32>
      %jit3A_486 = arith.constant 2.800000e+01 : f32
      %broadcast_in_dim3A_487 = vector.broadcast %jit3A_486 : f32 to vector<16xf32>
      %select_n3A_488 = arith.select %gt3A_485, %broadcast_in_dim3A_487, %select_n3A_472 : vector<16xi1>, vector<16xf32>
      %select_n3A_489 = arith.select %gt3A_484, %select_n3A_477, %select_n3A_488 : vector<16xi1>, vector<16xf32>
      %select_n3A_490 = arith.select %gt3A_485, %get3A_483, %select_n3A_474 : vector<16xi1>, vector<16xf32>
      %select_n3A_491 = arith.select %gt3A_484, %select_n3A_478, %select_n3A_490 : vector<16xi1>, vector<16xf32>
      %jit3A_492 = arith.constant 2.800000e+01 : f32
      %broadcast_in_dim3A_493 = vector.broadcast %jit3A_492 : f32 to vector<16xf32>
      %select_n3A_494 = arith.select %gt3A_484, %broadcast_in_dim3A_493, %select_n3A_477 : vector<16xi1>, vector<16xf32>
      %select_n3A_495 = arith.select %gt3A_484, %get3A_483, %select_n3A_478 : vector<16xi1>, vector<16xf32>
      %get3A_496 = arith.constant 29 : i32
      %get3A_497 = arith.index_cast %get3A_496 : i32 to index
      %get3A_498 = arith.index_cast %mul3A_13 : i32 to index
      %get3A_499 = tpu.vector_load %arg5[%get3A_497, %get3A_498] {strides = array<i32>} : memref<64x1024xf32, #tpu.memory_space<vmem>>, vector<1x16xf32>,
      %get3A_500 = vector.shape_cast %get3A_499 : vector<1x16xf32> to vector<16xf32>
      %gt3A_501 = arith.cmpf ogt, %get3A_500, %select_n3A_495 : vector<16xf32>
      %gt3A_502 = arith.cmpf ogt, %get3A_500, %select_n3A_491 : vector<16xf32>
      %jit3A_503 = arith.constant 2.900000e+01 : f32
      %broadcast_in_dim3A_504 = vector.broadcast %jit3A_503 : f32 to vector<16xf32>
      %select_n3A_505 = arith.select %gt3A_502, %broadcast_in_dim3A_504, %select_n3A_489 : vector<16xi1>, vector<16xf32>
      %select_n3A_506 = arith.select %gt3A_501, %select_n3A_494, %select_n3A_505 : vector<16xi1>, vector<16xf32>
      %select_n3A_507 = arith.select %gt3A_502, %get3A_500, %select_n3A_491 : vector<16xi1>, vector<16xf32>
      %select_n3A_508 = arith.select %gt3A_501, %select_n3A_495, %select_n3A_507 : vector<16xi1>, vector<16xf32>
      %jit3A_509 = arith.constant 2.900000e+01 : f32
      %broadcast_in_dim3A_510 = vector.broadcast %jit3A_509 : f32 to vector<16xf32>
      %select_n3A_511 = arith.select %gt3A_501, %broadcast_in_dim3A_510, %select_n3A_494 : vector<16xi1>, vector<16xf32>
      %select_n3A_512 = arith.select %gt3A_501, %get3A_500, %select_n3A_495 : vector<16xi1>, vector<16xf32>
      %get3A_513 = arith.constant 30 : i32
      %get3A_514 = arith.index_cast %get3A_513 : i32 to index
      %get3A_515 = arith.index_cast %mul3A_13 : i32 to index
      %get3A_516 = tpu.vector_load %arg5[%get3A_514, %get3A_515] {strides = array<i32>} : memref<64x1024xf32, #tpu.memory_space<vmem>>, vector<1x16xf32>,
      %get3A_517 = vector.shape_cast %get3A_516 : vector<1x16xf32> to vector<16xf32>
      %gt3A_518 = arith.cmpf ogt, %get3A_517, %select_n3A_512 : vector<16xf32>
      %gt3A_519 = arith.cmpf ogt, %get3A_517, %select_n3A_508 : vector<16xf32>
      %jit3A_520 = arith.constant 3.000000e+01 : f32
      %broadcast_in_dim3A_521 = vector.broadcast %jit3A_520 : f32 to vector<16xf32>
      %select_n3A_522 = arith.select %gt3A_519, %broadcast_in_dim3A_521, %select_n3A_506 : vector<16xi1>, vector<16xf32>
      %select_n3A_523 = arith.select %gt3A_518, %select_n3A_511, %select_n3A_522 : vector<16xi1>, vector<16xf32>
      %select_n3A_524 = arith.select %gt3A_519, %get3A_517, %select_n3A_508 : vector<16xi1>, vector<16xf32>
      %select_n3A_525 = arith.select %gt3A_518, %select_n3A_512, %select_n3A_524 : vector<16xi1>, vector<16xf32>
      %jit3A_526 = arith.constant 3.000000e+01 : f32
      %broadcast_in_dim3A_527 = vector.broadcast %jit3A_526 : f32 to vector<16xf32>
      %select_n3A_528 = arith.select %gt3A_518, %broadcast_in_dim3A_527, %select_n3A_511 : vector<16xi1>, vector<16xf32>
      %select_n3A_529 = arith.select %gt3A_518, %get3A_517, %select_n3A_512 : vector<16xi1>, vector<16xf32>
      %get3A_530 = arith.constant 31 : i32
      %get3A_531 = arith.index_cast %get3A_530 : i32 to index
      %get3A_532 = arith.index_cast %mul3A_13 : i32 to index
      %get3A_533 = tpu.vector_load %arg5[%get3A_531, %get3A_532] {strides = array<i32>} : memref<64x1024xf32, #tpu.memory_space<vmem>>, vector<1x16xf32>,
      %get3A_534 = vector.shape_cast %get3A_533 : vector<1x16xf32> to vector<16xf32>
      %gt3A_535 = arith.cmpf ogt, %get3A_534, %select_n3A_529 : vector<16xf32>
      %gt3A_536 = arith.cmpf ogt, %get3A_534, %select_n3A_525 : vector<16xf32>
      %jit3A_537 = arith.constant 3.100000e+01 : f32
      %broadcast_in_dim3A_538 = vector.broadcast %jit3A_537 : f32 to vector<16xf32>
      %select_n3A_539 = arith.select %gt3A_536, %broadcast_in_dim3A_538, %select_n3A_523 : vector<16xi1>, vector<16xf32>
      %select_n3A_540 = arith.select %gt3A_535, %select_n3A_528, %select_n3A_539 : vector<16xi1>, vector<16xf32>
      %select_n3A_541 = arith.select %gt3A_536, %get3A_534, %select_n3A_525 : vector<16xi1>, vector<16xf32>
      %select_n3A_542 = arith.select %gt3A_535, %select_n3A_529, %select_n3A_541 : vector<16xi1>, vector<16xf32>
      %jit3A_543 = arith.constant 3.100000e+01 : f32
      %broadcast_in_dim3A_544 = vector.broadcast %jit3A_543 : f32 to vector<16xf32>
      %select_n3A_545 = arith.select %gt3A_535, %broadcast_in_dim3A_544, %select_n3A_528 : vector<16xi1>, vector<16xf32>
      %select_n3A_546 = arith.select %gt3A_535, %get3A_534, %select_n3A_529 : vector<16xi1>, vector<16xf32>
      %get3A_547 = arith.constant 32 : i32
      %get3A_548 = arith.index_cast %get3A_547 : i32 to index
      %get3A_549 = arith.index_cast %mul3A_13 : i32 to index
      %get3A_550 = tpu.vector_load %arg5[%get3A_548, %get3A_549] {strides = array<i32>} : memref<64x1024xf32, #tpu.memory_space<vmem>>, vector<1x16xf32>,
      %get3A_551 = vector.shape_cast %get3A_550 : vector<1x16xf32> to vector<16xf32>
      %gt3A_552 = arith.cmpf ogt, %get3A_551, %select_n3A_546 : vector<16xf32>
      %gt3A_553 = arith.cmpf ogt, %get3A_551, %select_n3A_542 : vector<16xf32>
      %jit3A_554 = arith.constant 3.200000e+01 : f32
      %broadcast_in_dim3A_555 = vector.broadcast %jit3A_554 : f32 to vector<16xf32>
      %select_n3A_556 = arith.select %gt3A_553, %broadcast_in_dim3A_555, %select_n3A_540 : vector<16xi1>, vector<16xf32>
      %select_n3A_557 = arith.select %gt3A_552, %select_n3A_545, %select_n3A_556 : vector<16xi1>, vector<16xf32>
      %select_n3A_558 = arith.select %gt3A_553, %get3A_551, %select_n3A_542 : vector<16xi1>, vector<16xf32>
      %select_n3A_559 = arith.select %gt3A_552, %select_n3A_546, %select_n3A_558 : vector<16xi1>, vector<16xf32>
      %jit3A_560 = arith.constant 3.200000e+01 : f32
      %broadcast_in_dim3A_561 = vector.broadcast %jit3A_560 : f32 to vector<16xf32>
      %select_n3A_562 = arith.select %gt3A_552, %broadcast_in_dim3A_561, %select_n3A_545 : vector<16xi1>, vector<16xf32>
      %select_n3A_563 = arith.select %gt3A_552, %get3A_551, %select_n3A_546 : vector<16xi1>, vector<16xf32>
      %get3A_564 = arith.constant 33 : i32
      %get3A_565 = arith.index_cast %get3A_564 : i32 to index
      %get3A_566 = arith.index_cast %mul3A_13 : i32 to index
      %get3A_567 = tpu.vector_load %arg5[%get3A_565, %get3A_566] {strides = array<i32>} : memref<64x1024xf32, #tpu.memory_space<vmem>>, vector<1x16xf32>,
      %get3A_568 = vector.shape_cast %get3A_567 : vector<1x16xf32> to vector<16xf32>
      %gt3A_569 = arith.cmpf ogt, %get3A_568, %select_n3A_563 : vector<16xf32>
      %gt3A_570 = arith.cmpf ogt, %get3A_568, %select_n3A_559 : vector<16xf32>
      %jit3A_571 = arith.constant 3.300000e+01 : f32
      %broadcast_in_dim3A_572 = vector.broadcast %jit3A_571 : f32 to vector<16xf32>
      %select_n3A_573 = arith.select %gt3A_570, %broadcast_in_dim3A_572, %select_n3A_557 : vector<16xi1>, vector<16xf32>
      %select_n3A_574 = arith.select %gt3A_569, %select_n3A_562, %select_n3A_573 : vector<16xi1>, vector<16xf32>
      %select_n3A_575 = arith.select %gt3A_570, %get3A_568, %select_n3A_559 : vector<16xi1>, vector<16xf32>
      %select_n3A_576 = arith.select %gt3A_569, %select_n3A_563, %select_n3A_575 : vector<16xi1>, vector<16xf32>
      %jit3A_577 = arith.constant 3.300000e+01 : f32
      %broadcast_in_dim3A_578 = vector.broadcast %jit3A_577 : f32 to vector<16xf32>
      %select_n3A_579 = arith.select %gt3A_569, %broadcast_in_dim3A_578, %select_n3A_562 : vector<16xi1>, vector<16xf32>
      %select_n3A_580 = arith.select %gt3A_569, %get3A_568, %select_n3A_563 : vector<16xi1>, vector<16xf32>
      %get3A_581 = arith.constant 34 : i32
      %get3A_582 = arith.index_cast %get3A_581 : i32 to index
      %get3A_583 = arith.index_cast %mul3A_13 : i32 to index
      %get3A_584 = tpu.vector_load %arg5[%get3A_582, %get3A_583] {strides = array<i32>} : memref<64x1024xf32, #tpu.memory_space<vmem>>, vector<1x16xf32>,
      %get3A_585 = vector.shape_cast %get3A_584 : vector<1x16xf32> to vector<16xf32>
      %gt3A_586 = arith.cmpf ogt, %get3A_585, %select_n3A_580 : vector<16xf32>
      %gt3A_587 = arith.cmpf ogt, %get3A_585, %select_n3A_576 : vector<16xf32>
      %jit3A_588 = arith.constant 3.400000e+01 : f32
      %broadcast_in_dim3A_589 = vector.broadcast %jit3A_588 : f32 to vector<16xf32>
      %select_n3A_590 = arith.select %gt3A_587, %broadcast_in_dim3A_589, %select_n3A_574 : vector<16xi1>, vector<16xf32>
      %select_n3A_591 = arith.select %gt3A_586, %select_n3A_579, %select_n3A_590 : vector<16xi1>, vector<16xf32>
      %select_n3A_592 = arith.select %gt3A_587, %get3A_585, %select_n3A_576 : vector<16xi1>, vector<16xf32>
      %select_n3A_593 = arith.select %gt3A_586, %select_n3A_580, %select_n3A_592 : vector<16xi1>, vector<16xf32>
      %jit3A_594 = arith.constant 3.400000e+01 : f32
      %broadcast_in_dim3A_595 = vector.broadcast %jit3A_594 : f32 to vector<16xf32>
      %select_n3A_596 = arith.select %gt3A_586, %broadcast_in_dim3A_595, %select_n3A_579 : vector<16xi1>, vector<16xf32>
      %select_n3A_597 = arith.select %gt3A_586, %get3A_585, %select_n3A_580 : vector<16xi1>, vector<16xf32>
      %get3A_598 = arith.constant 35 : i32
      %get3A_599 = arith.index_cast %get3A_598 : i32 to index
      %get3A_600 = arith.index_cast %mul3A_13 : i32 to index
      %get3A_601 = tpu.vector_load %arg5[%get3A_599, %get3A_600] {strides = array<i32>} : memref<64x1024xf32, #tpu.memory_space<vmem>>, vector<1x16xf32>,
      %get3A_602 = vector.shape_cast %get3A_601 : vector<1x16xf32> to vector<16xf32>
      %gt3A_603 = arith.cmpf ogt, %get3A_602, %select_n3A_597 : vector<16xf32>
      %gt3A_604 = arith.cmpf ogt, %get3A_602, %select_n3A_593 : vector<16xf32>
      %jit3A_605 = arith.constant 3.500000e+01 : f32
      %broadcast_in_dim3A_606 = vector.broadcast %jit3A_605 : f32 to vector<16xf32>
      %select_n3A_607 = arith.select %gt3A_604, %broadcast_in_dim3A_606, %select_n3A_591 : vector<16xi1>, vector<16xf32>
      %select_n3A_608 = arith.select %gt3A_603, %select_n3A_596, %select_n3A_607 : vector<16xi1>, vector<16xf32>
      %select_n3A_609 = arith.select %gt3A_604, %get3A_602, %select_n3A_593 : vector<16xi1>, vector<16xf32>
      %select_n3A_610 = arith.select %gt3A_603, %select_n3A_597, %select_n3A_609 : vector<16xi1>, vector<16xf32>
      %jit3A_611 = arith.constant 3.500000e+01 : f32
      %broadcast_in_dim3A_612 = vector.broadcast %jit3A_611 : f32 to vector<16xf32>
      %select_n3A_613 = arith.select %gt3A_603, %broadcast_in_dim3A_612, %select_n3A_596 : vector<16xi1>, vector<16xf32>
      %select_n3A_614 = arith.select %gt3A_603, %get3A_602, %select_n3A_597 : vector<16xi1>, vector<16xf32>
      %get3A_615 = arith.constant 36 : i32
      %get3A_616 = arith.index_cast %get3A_615 : i32 to index
      %get3A_617 = arith.index_cast %mul3A_13 : i32 to index
      %get3A_618 = tpu.vector_load %arg5[%get3A_616, %get3A_617] {strides = array<i32>} : memref<64x1024xf32, #tpu.memory_space<vmem>>, vector<1x16xf32>,
      %get3A_619 = vector.shape_cast %get3A_618 : vector<1x16xf32> to vector<16xf32>
      %gt3A_620 = arith.cmpf ogt, %get3A_619, %select_n3A_614 : vector<16xf32>
      %gt3A_621 = arith.cmpf ogt, %get3A_619, %select_n3A_610 : vector<16xf32>
      %jit3A_622 = arith.constant 3.600000e+01 : f32
      %broadcast_in_dim3A_623 = vector.broadcast %jit3A_622 : f32 to vector<16xf32>
      %select_n3A_624 = arith.select %gt3A_621, %broadcast_in_dim3A_623, %select_n3A_608 : vector<16xi1>, vector<16xf32>
      %select_n3A_625 = arith.select %gt3A_620, %select_n3A_613, %select_n3A_624 : vector<16xi1>, vector<16xf32>
      %select_n3A_626 = arith.select %gt3A_621, %get3A_619, %select_n3A_610 : vector<16xi1>, vector<16xf32>
      %select_n3A_627 = arith.select %gt3A_620, %select_n3A_614, %select_n3A_626 : vector<16xi1>, vector<16xf32>
      %jit3A_628 = arith.constant 3.600000e+01 : f32
      %broadcast_in_dim3A_629 = vector.broadcast %jit3A_628 : f32 to vector<16xf32>
      %select_n3A_630 = arith.select %gt3A_620, %broadcast_in_dim3A_629, %select_n3A_613 : vector<16xi1>, vector<16xf32>
      %select_n3A_631 = arith.select %gt3A_620, %get3A_619, %select_n3A_614 : vector<16xi1>, vector<16xf32>
      %get3A_632 = arith.constant 37 : i32
      %get3A_633 = arith.index_cast %get3A_632 : i32 to index
      %get3A_634 = arith.index_cast %mul3A_13 : i32 to index
      %get3A_635 = tpu.vector_load %arg5[%get3A_633, %get3A_634] {strides = array<i32>} : memref<64x1024xf32, #tpu.memory_space<vmem>>, vector<1x16xf32>,
      %get3A_636 = vector.shape_cast %get3A_635 : vector<1x16xf32> to vector<16xf32>
      %gt3A_637 = arith.cmpf ogt, %get3A_636, %select_n3A_631 : vector<16xf32>
      %gt3A_638 = arith.cmpf ogt, %get3A_636, %select_n3A_627 : vector<16xf32>
      %jit3A_639 = arith.constant 3.700000e+01 : f32
      %broadcast_in_dim3A_640 = vector.broadcast %jit3A_639 : f32 to vector<16xf32>
      %select_n3A_641 = arith.select %gt3A_638, %broadcast_in_dim3A_640, %select_n3A_625 : vector<16xi1>, vector<16xf32>
      %select_n3A_642 = arith.select %gt3A_637, %select_n3A_630, %select_n3A_641 : vector<16xi1>, vector<16xf32>
      %select_n3A_643 = arith.select %gt3A_638, %get3A_636, %select_n3A_627 : vector<16xi1>, vector<16xf32>
      %select_n3A_644 = arith.select %gt3A_637, %select_n3A_631, %select_n3A_643 : vector<16xi1>, vector<16xf32>
      %jit3A_645 = arith.constant 3.700000e+01 : f32
      %broadcast_in_dim3A_646 = vector.broadcast %jit3A_645 : f32 to vector<16xf32>
      %select_n3A_647 = arith.select %gt3A_637, %broadcast_in_dim3A_646, %select_n3A_630 : vector<16xi1>, vector<16xf32>
      %select_n3A_648 = arith.select %gt3A_637, %get3A_636, %select_n3A_631 : vector<16xi1>, vector<16xf32>
      %get3A_649 = arith.constant 38 : i32
      %get3A_650 = arith.index_cast %get3A_649 : i32 to index
      %get3A_651 = arith.index_cast %mul3A_13 : i32 to index
      %get3A_652 = tpu.vector_load %arg5[%get3A_650, %get3A_651] {strides = array<i32>} : memref<64x1024xf32, #tpu.memory_space<vmem>>, vector<1x16xf32>,
      %get3A_653 = vector.shape_cast %get3A_652 : vector<1x16xf32> to vector<16xf32>
      %gt3A_654 = arith.cmpf ogt, %get3A_653, %select_n3A_648 : vector<16xf32>
      %gt3A_655 = arith.cmpf ogt, %get3A_653, %select_n3A_644 : vector<16xf32>
      %jit3A_656 = arith.constant 3.800000e+01 : f32
      %broadcast_in_dim3A_657 = vector.broadcast %jit3A_656 : f32 to vector<16xf32>
      %select_n3A_658 = arith.select %gt3A_655, %broadcast_in_dim3A_657, %select_n3A_642 : vector<16xi1>, vector<16xf32>
      %select_n3A_659 = arith.select %gt3A_654, %select_n3A_647, %select_n3A_658 : vector<16xi1>, vector<16xf32>
      %select_n3A_660 = arith.select %gt3A_655, %get3A_653, %select_n3A_644 : vector<16xi1>, vector<16xf32>
      %select_n3A_661 = arith.select %gt3A_654, %select_n3A_648, %select_n3A_660 : vector<16xi1>, vector<16xf32>
      %jit3A_662 = arith.constant 3.800000e+01 : f32
      %broadcast_in_dim3A_663 = vector.broadcast %jit3A_662 : f32 to vector<16xf32>
      %select_n3A_664 = arith.select %gt3A_654, %broadcast_in_dim3A_663, %select_n3A_647 : vector<16xi1>, vector<16xf32>
      %select_n3A_665 = arith.select %gt3A_654, %get3A_653, %select_n3A_648 : vector<16xi1>, vector<16xf32>
      %get3A_666 = arith.constant 39 : i32
      %get3A_667 = arith.index_cast %get3A_666 : i32 to index
      %get3A_668 = arith.index_cast %mul3A_13 : i32 to index
      %get3A_669 = tpu.vector_load %arg5[%get3A_667, %get3A_668] {strides = array<i32>} : memref<64x1024xf32, #tpu.memory_space<vmem>>, vector<1x16xf32>,
      %get3A_670 = vector.shape_cast %get3A_669 : vector<1x16xf32> to vector<16xf32>
      %gt3A_671 = arith.cmpf ogt, %get3A_670, %select_n3A_665 : vector<16xf32>
      %gt3A_672 = arith.cmpf ogt, %get3A_670, %select_n3A_661 : vector<16xf32>
      %jit3A_673 = arith.constant 3.900000e+01 : f32
      %broadcast_in_dim3A_674 = vector.broadcast %jit3A_673 : f32 to vector<16xf32>
      %select_n3A_675 = arith.select %gt3A_672, %broadcast_in_dim3A_674, %select_n3A_659 : vector<16xi1>, vector<16xf32>
      %select_n3A_676 = arith.select %gt3A_671, %select_n3A_664, %select_n3A_675 : vector<16xi1>, vector<16xf32>
      %select_n3A_677 = arith.select %gt3A_672, %get3A_670, %select_n3A_661 : vector<16xi1>, vector<16xf32>
      %select_n3A_678 = arith.select %gt3A_671, %select_n3A_665, %select_n3A_677 : vector<16xi1>, vector<16xf32>
      %jit3A_679 = arith.constant 3.900000e+01 : f32
      %broadcast_in_dim3A_680 = vector.broadcast %jit3A_679 : f32 to vector<16xf32>
      %select_n3A_681 = arith.select %gt3A_671, %broadcast_in_dim3A_680, %select_n3A_664 : vector<16xi1>, vector<16xf32>
      %select_n3A_682 = arith.select %gt3A_671, %get3A_670, %select_n3A_665 : vector<16xi1>, vector<16xf32>
      %get3A_683 = arith.constant 40 : i32
      %get3A_684 = arith.index_cast %get3A_683 : i32 to index
      %get3A_685 = arith.index_cast %mul3A_13 : i32 to index
      %get3A_686 = tpu.vector_load %arg5[%get3A_684, %get3A_685] {strides = array<i32>} : memref<64x1024xf32, #tpu.memory_space<vmem>>, vector<1x16xf32>,
      %get3A_687 = vector.shape_cast %get3A_686 : vector<1x16xf32> to vector<16xf32>
      %gt3A_688 = arith.cmpf ogt, %get3A_687, %select_n3A_682 : vector<16xf32>
      %gt3A_689 = arith.cmpf ogt, %get3A_687, %select_n3A_678 : vector<16xf32>
      %jit3A_690 = arith.constant 4.000000e+01 : f32
      %broadcast_in_dim3A_691 = vector.broadcast %jit3A_690 : f32 to vector<16xf32>
      %select_n3A_692 = arith.select %gt3A_689, %broadcast_in_dim3A_691, %select_n3A_676 : vector<16xi1>, vector<16xf32>
      %select_n3A_693 = arith.select %gt3A_688, %select_n3A_681, %select_n3A_692 : vector<16xi1>, vector<16xf32>
      %select_n3A_694 = arith.select %gt3A_689, %get3A_687, %select_n3A_678 : vector<16xi1>, vector<16xf32>
      %select_n3A_695 = arith.select %gt3A_688, %select_n3A_682, %select_n3A_694 : vector<16xi1>, vector<16xf32>
      %jit3A_696 = arith.constant 4.000000e+01 : f32
      %broadcast_in_dim3A_697 = vector.broadcast %jit3A_696 : f32 to vector<16xf32>
      %select_n3A_698 = arith.select %gt3A_688, %broadcast_in_dim3A_697, %select_n3A_681 : vector<16xi1>, vector<16xf32>
      %select_n3A_699 = arith.select %gt3A_688, %get3A_687, %select_n3A_682 : vector<16xi1>, vector<16xf32>
      %get3A_700 = arith.constant 41 : i32
      %get3A_701 = arith.index_cast %get3A_700 : i32 to index
      %get3A_702 = arith.index_cast %mul3A_13 : i32 to index
      %get3A_703 = tpu.vector_load %arg5[%get3A_701, %get3A_702] {strides = array<i32>} : memref<64x1024xf32, #tpu.memory_space<vmem>>, vector<1x16xf32>,
      %get3A_704 = vector.shape_cast %get3A_703 : vector<1x16xf32> to vector<16xf32>
      %gt3A_705 = arith.cmpf ogt, %get3A_704, %select_n3A_699 : vector<16xf32>
      %gt3A_706 = arith.cmpf ogt, %get3A_704, %select_n3A_695 : vector<16xf32>
      %jit3A_707 = arith.constant 4.100000e+01 : f32
      %broadcast_in_dim3A_708 = vector.broadcast %jit3A_707 : f32 to vector<16xf32>
      %select_n3A_709 = arith.select %gt3A_706, %broadcast_in_dim3A_708, %select_n3A_693 : vector<16xi1>, vector<16xf32>
      %select_n3A_710 = arith.select %gt3A_705, %select_n3A_698, %select_n3A_709 : vector<16xi1>, vector<16xf32>
      %select_n3A_711 = arith.select %gt3A_706, %get3A_704, %select_n3A_695 : vector<16xi1>, vector<16xf32>
      %select_n3A_712 = arith.select %gt3A_705, %select_n3A_699, %select_n3A_711 : vector<16xi1>, vector<16xf32>
      %jit3A_713 = arith.constant 4.100000e+01 : f32
      %broadcast_in_dim3A_714 = vector.broadcast %jit3A_713 : f32 to vector<16xf32>
      %select_n3A_715 = arith.select %gt3A_705, %broadcast_in_dim3A_714, %select_n3A_698 : vector<16xi1>, vector<16xf32>
      %select_n3A_716 = arith.select %gt3A_705, %get3A_704, %select_n3A_699 : vector<16xi1>, vector<16xf32>
      %get3A_717 = arith.constant 42 : i32
      %get3A_718 = arith.index_cast %get3A_717 : i32 to index
      %get3A_719 = arith.index_cast %mul3A_13 : i32 to index
      %get3A_720 = tpu.vector_load %arg5[%get3A_718, %get3A_719] {strides = array<i32>} : memref<64x1024xf32, #tpu.memory_space<vmem>>, vector<1x16xf32>,
      %get3A_721 = vector.shape_cast %get3A_720 : vector<1x16xf32> to vector<16xf32>
      %gt3A_722 = arith.cmpf ogt, %get3A_721, %select_n3A_716 : vector<16xf32>
      %gt3A_723 = arith.cmpf ogt, %get3A_721, %select_n3A_712 : vector<16xf32>
      %jit3A_724 = arith.constant 4.200000e+01 : f32
      %broadcast_in_dim3A_725 = vector.broadcast %jit3A_724 : f32 to vector<16xf32>
      %select_n3A_726 = arith.select %gt3A_723, %broadcast_in_dim3A_725, %select_n3A_710 : vector<16xi1>, vector<16xf32>
      %select_n3A_727 = arith.select %gt3A_722, %select_n3A_715, %select_n3A_726 : vector<16xi1>, vector<16xf32>
      %select_n3A_728 = arith.select %gt3A_723, %get3A_721, %select_n3A_712 : vector<16xi1>, vector<16xf32>
      %select_n3A_729 = arith.select %gt3A_722, %select_n3A_716, %select_n3A_728 : vector<16xi1>, vector<16xf32>
      %jit3A_730 = arith.constant 4.200000e+01 : f32
      %broadcast_in_dim3A_731 = vector.broadcast %jit3A_730 : f32 to vector<16xf32>
      %select_n3A_732 = arith.select %gt3A_722, %broadcast_in_dim3A_731, %select_n3A_715 : vector<16xi1>, vector<16xf32>
      %select_n3A_733 = arith.select %gt3A_722, %get3A_721, %select_n3A_716 : vector<16xi1>, vector<16xf32>
      %get3A_734 = arith.constant 43 : i32
      %get3A_735 = arith.index_cast %get3A_734 : i32 to index
      %get3A_736 = arith.index_cast %mul3A_13 : i32 to index
      %get3A_737 = tpu.vector_load %arg5[%get3A_735, %get3A_736] {strides = array<i32>} : memref<64x1024xf32, #tpu.memory_space<vmem>>, vector<1x16xf32>,
      %get3A_738 = vector.shape_cast %get3A_737 : vector<1x16xf32> to vector<16xf32>
      %gt3A_739 = arith.cmpf ogt, %get3A_738, %select_n3A_733 : vector<16xf32>
      %gt3A_740 = arith.cmpf ogt, %get3A_738, %select_n3A_729 : vector<16xf32>
      %jit3A_741 = arith.constant 4.300000e+01 : f32
      %broadcast_in_dim3A_742 = vector.broadcast %jit3A_741 : f32 to vector<16xf32>
      %select_n3A_743 = arith.select %gt3A_740, %broadcast_in_dim3A_742, %select_n3A_727 : vector<16xi1>, vector<16xf32>
      %select_n3A_744 = arith.select %gt3A_739, %select_n3A_732, %select_n3A_743 : vector<16xi1>, vector<16xf32>
      %select_n3A_745 = arith.select %gt3A_740, %get3A_738, %select_n3A_729 : vector<16xi1>, vector<16xf32>
      %select_n3A_746 = arith.select %gt3A_739, %select_n3A_733, %select_n3A_745 : vector<16xi1>, vector<16xf32>
      %jit3A_747 = arith.constant 4.300000e+01 : f32
      %broadcast_in_dim3A_748 = vector.broadcast %jit3A_747 : f32 to vector<16xf32>
      %select_n3A_749 = arith.select %gt3A_739, %broadcast_in_dim3A_748, %select_n3A_732 : vector<16xi1>, vector<16xf32>
      %select_n3A_750 = arith.select %gt3A_739, %get3A_738, %select_n3A_733 : vector<16xi1>, vector<16xf32>
      %get3A_751 = arith.constant 44 : i32
      %get3A_752 = arith.index_cast %get3A_751 : i32 to index
      %get3A_753 = arith.index_cast %mul3A_13 : i32 to index
      %get3A_754 = tpu.vector_load %arg5[%get3A_752, %get3A_753] {strides = array<i32>} : memref<64x1024xf32, #tpu.memory_space<vmem>>, vector<1x16xf32>,
      %get3A_755 = vector.shape_cast %get3A_754 : vector<1x16xf32> to vector<16xf32>
      %gt3A_756 = arith.cmpf ogt, %get3A_755, %select_n3A_750 : vector<16xf32>
      %gt3A_757 = arith.cmpf ogt, %get3A_755, %select_n3A_746 : vector<16xf32>
      %jit3A_758 = arith.constant 4.400000e+01 : f32
      %broadcast_in_dim3A_759 = vector.broadcast %jit3A_758 : f32 to vector<16xf32>
      %select_n3A_760 = arith.select %gt3A_757, %broadcast_in_dim3A_759, %select_n3A_744 : vector<16xi1>, vector<16xf32>
      %select_n3A_761 = arith.select %gt3A_756, %select_n3A_749, %select_n3A_760 : vector<16xi1>, vector<16xf32>
      %select_n3A_762 = arith.select %gt3A_757, %get3A_755, %select_n3A_746 : vector<16xi1>, vector<16xf32>
      %select_n3A_763 = arith.select %gt3A_756, %select_n3A_750, %select_n3A_762 : vector<16xi1>, vector<16xf32>
      %jit3A_764 = arith.constant 4.400000e+01 : f32
      %broadcast_in_dim3A_765 = vector.broadcast %jit3A_764 : f32 to vector<16xf32>
      %select_n3A_766 = arith.select %gt3A_756, %broadcast_in_dim3A_765, %select_n3A_749 : vector<16xi1>, vector<16xf32>
      %select_n3A_767 = arith.select %gt3A_756, %get3A_755, %select_n3A_750 : vector<16xi1>, vector<16xf32>
      %get3A_768 = arith.constant 45 : i32
      %get3A_769 = arith.index_cast %get3A_768 : i32 to index
      %get3A_770 = arith.index_cast %mul3A_13 : i32 to index
      %get3A_771 = tpu.vector_load %arg5[%get3A_769, %get3A_770] {strides = array<i32>} : memref<64x1024xf32, #tpu.memory_space<vmem>>, vector<1x16xf32>,
      %get3A_772 = vector.shape_cast %get3A_771 : vector<1x16xf32> to vector<16xf32>
      %gt3A_773 = arith.cmpf ogt, %get3A_772, %select_n3A_767 : vector<16xf32>
      %gt3A_774 = arith.cmpf ogt, %get3A_772, %select_n3A_763 : vector<16xf32>
      %jit3A_775 = arith.constant 4.500000e+01 : f32
      %broadcast_in_dim3A_776 = vector.broadcast %jit3A_775 : f32 to vector<16xf32>
      %select_n3A_777 = arith.select %gt3A_774, %broadcast_in_dim3A_776, %select_n3A_761 : vector<16xi1>, vector<16xf32>
      %select_n3A_778 = arith.select %gt3A_773, %select_n3A_766, %select_n3A_777 : vector<16xi1>, vector<16xf32>
      %select_n3A_779 = arith.select %gt3A_774, %get3A_772, %select_n3A_763 : vector<16xi1>, vector<16xf32>
      %select_n3A_780 = arith.select %gt3A_773, %select_n3A_767, %select_n3A_779 : vector<16xi1>, vector<16xf32>
      %jit3A_781 = arith.constant 4.500000e+01 : f32
      %broadcast_in_dim3A_782 = vector.broadcast %jit3A_781 : f32 to vector<16xf32>
      %select_n3A_783 = arith.select %gt3A_773, %broadcast_in_dim3A_782, %select_n3A_766 : vector<16xi1>, vector<16xf32>
      %select_n3A_784 = arith.select %gt3A_773, %get3A_772, %select_n3A_767 : vector<16xi1>, vector<16xf32>
      %get3A_785 = arith.constant 46 : i32
      %get3A_786 = arith.index_cast %get3A_785 : i32 to index
      %get3A_787 = arith.index_cast %mul3A_13 : i32 to index
      %get3A_788 = tpu.vector_load %arg5[%get3A_786, %get3A_787] {strides = array<i32>} : memref<64x1024xf32, #tpu.memory_space<vmem>>, vector<1x16xf32>,
      %get3A_789 = vector.shape_cast %get3A_788 : vector<1x16xf32> to vector<16xf32>
      %gt3A_790 = arith.cmpf ogt, %get3A_789, %select_n3A_784 : vector<16xf32>
      %gt3A_791 = arith.cmpf ogt, %get3A_789, %select_n3A_780 : vector<16xf32>
      %jit3A_792 = arith.constant 4.600000e+01 : f32
      %broadcast_in_dim3A_793 = vector.broadcast %jit3A_792 : f32 to vector<16xf32>
      %select_n3A_794 = arith.select %gt3A_791, %broadcast_in_dim3A_793, %select_n3A_778 : vector<16xi1>, vector<16xf32>
      %select_n3A_795 = arith.select %gt3A_790, %select_n3A_783, %select_n3A_794 : vector<16xi1>, vector<16xf32>
      %select_n3A_796 = arith.select %gt3A_791, %get3A_789, %select_n3A_780 : vector<16xi1>, vector<16xf32>
      %select_n3A_797 = arith.select %gt3A_790, %select_n3A_784, %select_n3A_796 : vector<16xi1>, vector<16xf32>
      %jit3A_798 = arith.constant 4.600000e+01 : f32
      %broadcast_in_dim3A_799 = vector.broadcast %jit3A_798 : f32 to vector<16xf32>
      %select_n3A_800 = arith.select %gt3A_790, %broadcast_in_dim3A_799, %select_n3A_783 : vector<16xi1>, vector<16xf32>
      %select_n3A_801 = arith.select %gt3A_790, %get3A_789, %select_n3A_784 : vector<16xi1>, vector<16xf32>
      %get3A_802 = arith.constant 47 : i32
      %get3A_803 = arith.index_cast %get3A_802 : i32 to index
      %get3A_804 = arith.index_cast %mul3A_13 : i32 to index
      %get3A_805 = tpu.vector_load %arg5[%get3A_803, %get3A_804] {strides = array<i32>} : memref<64x1024xf32, #tpu.memory_space<vmem>>, vector<1x16xf32>,
      %get3A_806 = vector.shape_cast %get3A_805 : vector<1x16xf32> to vector<16xf32>
      %gt3A_807 = arith.cmpf ogt, %get3A_806, %select_n3A_801 : vector<16xf32>
      %gt3A_808 = arith.cmpf ogt, %get3A_806, %select_n3A_797 : vector<16xf32>
      %jit3A_809 = arith.constant 4.700000e+01 : f32
      %broadcast_in_dim3A_810 = vector.broadcast %jit3A_809 : f32 to vector<16xf32>
      %select_n3A_811 = arith.select %gt3A_808, %broadcast_in_dim3A_810, %select_n3A_795 : vector<16xi1>, vector<16xf32>
      %select_n3A_812 = arith.select %gt3A_807, %select_n3A_800, %select_n3A_811 : vector<16xi1>, vector<16xf32>
      %select_n3A_813 = arith.select %gt3A_808, %get3A_806, %select_n3A_797 : vector<16xi1>, vector<16xf32>
      %select_n3A_814 = arith.select %gt3A_807, %select_n3A_801, %select_n3A_813 : vector<16xi1>, vector<16xf32>
      %jit3A_815 = arith.constant 4.700000e+01 : f32
      %broadcast_in_dim3A_816 = vector.broadcast %jit3A_815 : f32 to vector<16xf32>
      %select_n3A_817 = arith.select %gt3A_807, %broadcast_in_dim3A_816, %select_n3A_800 : vector<16xi1>, vector<16xf32>
      %select_n3A_818 = arith.select %gt3A_807, %get3A_806, %select_n3A_801 : vector<16xi1>, vector<16xf32>
      %get3A_819 = arith.constant 48 : i32
      %get3A_820 = arith.index_cast %get3A_819 : i32 to index
      %get3A_821 = arith.index_cast %mul3A_13 : i32 to index
      %get3A_822 = tpu.vector_load %arg5[%get3A_820, %get3A_821] {strides = array<i32>} : memref<64x1024xf32, #tpu.memory_space<vmem>>, vector<1x16xf32>,
      %get3A_823 = vector.shape_cast %get3A_822 : vector<1x16xf32> to vector<16xf32>
      %gt3A_824 = arith.cmpf ogt, %get3A_823, %select_n3A_818 : vector<16xf32>
      %gt3A_825 = arith.cmpf ogt, %get3A_823, %select_n3A_814 : vector<16xf32>
      %jit3A_826 = arith.constant 4.800000e+01 : f32
      %broadcast_in_dim3A_827 = vector.broadcast %jit3A_826 : f32 to vector<16xf32>
      %select_n3A_828 = arith.select %gt3A_825, %broadcast_in_dim3A_827, %select_n3A_812 : vector<16xi1>, vector<16xf32>
      %select_n3A_829 = arith.select %gt3A_824, %select_n3A_817, %select_n3A_828 : vector<16xi1>, vector<16xf32>
      %select_n3A_830 = arith.select %gt3A_825, %get3A_823, %select_n3A_814 : vector<16xi1>, vector<16xf32>
      %select_n3A_831 = arith.select %gt3A_824, %select_n3A_818, %select_n3A_830 : vector<16xi1>, vector<16xf32>
      %jit3A_832 = arith.constant 4.800000e+01 : f32
      %broadcast_in_dim3A_833 = vector.broadcast %jit3A_832 : f32 to vector<16xf32>
      %select_n3A_834 = arith.select %gt3A_824, %broadcast_in_dim3A_833, %select_n3A_817 : vector<16xi1>, vector<16xf32>
      %select_n3A_835 = arith.select %gt3A_824, %get3A_823, %select_n3A_818 : vector<16xi1>, vector<16xf32>
      %get3A_836 = arith.constant 49 : i32
      %get3A_837 = arith.index_cast %get3A_836 : i32 to index
      %get3A_838 = arith.index_cast %mul3A_13 : i32 to index
      %get3A_839 = tpu.vector_load %arg5[%get3A_837, %get3A_838] {strides = array<i32>} : memref<64x1024xf32, #tpu.memory_space<vmem>>, vector<1x16xf32>,
      %get3A_840 = vector.shape_cast %get3A_839 : vector<1x16xf32> to vector<16xf32>
      %gt3A_841 = arith.cmpf ogt, %get3A_840, %select_n3A_835 : vector<16xf32>
      %gt3A_842 = arith.cmpf ogt, %get3A_840, %select_n3A_831 : vector<16xf32>
      %jit3A_843 = arith.constant 4.900000e+01 : f32
      %broadcast_in_dim3A_844 = vector.broadcast %jit3A_843 : f32 to vector<16xf32>
      %select_n3A_845 = arith.select %gt3A_842, %broadcast_in_dim3A_844, %select_n3A_829 : vector<16xi1>, vector<16xf32>
      %select_n3A_846 = arith.select %gt3A_841, %select_n3A_834, %select_n3A_845 : vector<16xi1>, vector<16xf32>
      %select_n3A_847 = arith.select %gt3A_842, %get3A_840, %select_n3A_831 : vector<16xi1>, vector<16xf32>
      %select_n3A_848 = arith.select %gt3A_841, %select_n3A_835, %select_n3A_847 : vector<16xi1>, vector<16xf32>
      %jit3A_849 = arith.constant 4.900000e+01 : f32
      %broadcast_in_dim3A_850 = vector.broadcast %jit3A_849 : f32 to vector<16xf32>
      %select_n3A_851 = arith.select %gt3A_841, %broadcast_in_dim3A_850, %select_n3A_834 : vector<16xi1>, vector<16xf32>
      %select_n3A_852 = arith.select %gt3A_841, %get3A_840, %select_n3A_835 : vector<16xi1>, vector<16xf32>
      %get3A_853 = arith.constant 50 : i32
      %get3A_854 = arith.index_cast %get3A_853 : i32 to index
      %get3A_855 = arith.index_cast %mul3A_13 : i32 to index
      %get3A_856 = tpu.vector_load %arg5[%get3A_854, %get3A_855] {strides = array<i32>} : memref<64x1024xf32, #tpu.memory_space<vmem>>, vector<1x16xf32>,
      %get3A_857 = vector.shape_cast %get3A_856 : vector<1x16xf32> to vector<16xf32>
      %gt3A_858 = arith.cmpf ogt, %get3A_857, %select_n3A_852 : vector<16xf32>
      %gt3A_859 = arith.cmpf ogt, %get3A_857, %select_n3A_848 : vector<16xf32>
      %jit3A_860 = arith.constant 5.000000e+01 : f32
      %broadcast_in_dim3A_861 = vector.broadcast %jit3A_860 : f32 to vector<16xf32>
      %select_n3A_862 = arith.select %gt3A_859, %broadcast_in_dim3A_861, %select_n3A_846 : vector<16xi1>, vector<16xf32>
      %select_n3A_863 = arith.select %gt3A_858, %select_n3A_851, %select_n3A_862 : vector<16xi1>, vector<16xf32>
      %select_n3A_864 = arith.select %gt3A_859, %get3A_857, %select_n3A_848 : vector<16xi1>, vector<16xf32>
      %select_n3A_865 = arith.select %gt3A_858, %select_n3A_852, %select_n3A_864 : vector<16xi1>, vector<16xf32>
      %jit3A_866 = arith.constant 5.000000e+01 : f32
      %broadcast_in_dim3A_867 = vector.broadcast %jit3A_866 : f32 to vector<16xf32>
      %select_n3A_868 = arith.select %gt3A_858, %broadcast_in_dim3A_867, %select_n3A_851 : vector<16xi1>, vector<16xf32>
      %select_n3A_869 = arith.select %gt3A_858, %get3A_857, %select_n3A_852 : vector<16xi1>, vector<16xf32>
      %get3A_870 = arith.constant 51 : i32
      %get3A_871 = arith.index_cast %get3A_870 : i32 to index
      %get3A_872 = arith.index_cast %mul3A_13 : i32 to index
      %get3A_873 = tpu.vector_load %arg5[%get3A_871, %get3A_872] {strides = array<i32>} : memref<64x1024xf32, #tpu.memory_space<vmem>>, vector<1x16xf32>,
      %get3A_874 = vector.shape_cast %get3A_873 : vector<1x16xf32> to vector<16xf32>
      %gt3A_875 = arith.cmpf ogt, %get3A_874, %select_n3A_869 : vector<16xf32>
      %gt3A_876 = arith.cmpf ogt, %get3A_874, %select_n3A_865 : vector<16xf32>
      %jit3A_877 = arith.constant 5.100000e+01 : f32
      %broadcast_in_dim3A_878 = vector.broadcast %jit3A_877 : f32 to vector<16xf32>
      %select_n3A_879 = arith.select %gt3A_876, %broadcast_in_dim3A_878, %select_n3A_863 : vector<16xi1>, vector<16xf32>
      %select_n3A_880 = arith.select %gt3A_875, %select_n3A_868, %select_n3A_879 : vector<16xi1>, vector<16xf32>
      %select_n3A_881 = arith.select %gt3A_876, %get3A_874, %select_n3A_865 : vector<16xi1>, vector<16xf32>
      %select_n3A_882 = arith.select %gt3A_875, %select_n3A_869, %select_n3A_881 : vector<16xi1>, vector<16xf32>
      %jit3A_883 = arith.constant 5.100000e+01 : f32
      %broadcast_in_dim3A_884 = vector.broadcast %jit3A_883 : f32 to vector<16xf32>
      %select_n3A_885 = arith.select %gt3A_875, %broadcast_in_dim3A_884, %select_n3A_868 : vector<16xi1>, vector<16xf32>
      %select_n3A_886 = arith.select %gt3A_875, %get3A_874, %select_n3A_869 : vector<16xi1>, vector<16xf32>
      %get3A_887 = arith.constant 52 : i32
      %get3A_888 = arith.index_cast %get3A_887 : i32 to index
      %get3A_889 = arith.index_cast %mul3A_13 : i32 to index
      %get3A_890 = tpu.vector_load %arg5[%get3A_888, %get3A_889] {strides = array<i32>} : memref<64x1024xf32, #tpu.memory_space<vmem>>, vector<1x16xf32>,
      %get3A_891 = vector.shape_cast %get3A_890 : vector<1x16xf32> to vector<16xf32>
      %gt3A_892 = arith.cmpf ogt, %get3A_891, %select_n3A_886 : vector<16xf32>
      %gt3A_893 = arith.cmpf ogt, %get3A_891, %select_n3A_882 : vector<16xf32>
      %jit3A_894 = arith.constant 5.200000e+01 : f32
      %broadcast_in_dim3A_895 = vector.broadcast %jit3A_894 : f32 to vector<16xf32>
      %select_n3A_896 = arith.select %gt3A_893, %broadcast_in_dim3A_895, %select_n3A_880 : vector<16xi1>, vector<16xf32>
      %select_n3A_897 = arith.select %gt3A_892, %select_n3A_885, %select_n3A_896 : vector<16xi1>, vector<16xf32>
      %select_n3A_898 = arith.select %gt3A_893, %get3A_891, %select_n3A_882 : vector<16xi1>, vector<16xf32>
      %select_n3A_899 = arith.select %gt3A_892, %select_n3A_886, %select_n3A_898 : vector<16xi1>, vector<16xf32>
      %jit3A_900 = arith.constant 5.200000e+01 : f32
      %broadcast_in_dim3A_901 = vector.broadcast %jit3A_900 : f32 to vector<16xf32>
      %select_n3A_902 = arith.select %gt3A_892, %broadcast_in_dim3A_901, %select_n3A_885 : vector<16xi1>, vector<16xf32>
      %select_n3A_903 = arith.select %gt3A_892, %get3A_891, %select_n3A_886 : vector<16xi1>, vector<16xf32>
      %get3A_904 = arith.constant 53 : i32
      %get3A_905 = arith.index_cast %get3A_904 : i32 to index
      %get3A_906 = arith.index_cast %mul3A_13 : i32 to index
      %get3A_907 = tpu.vector_load %arg5[%get3A_905, %get3A_906] {strides = array<i32>} : memref<64x1024xf32, #tpu.memory_space<vmem>>, vector<1x16xf32>,
      %get3A_908 = vector.shape_cast %get3A_907 : vector<1x16xf32> to vector<16xf32>
      %gt3A_909 = arith.cmpf ogt, %get3A_908, %select_n3A_903 : vector<16xf32>
      %gt3A_910 = arith.cmpf ogt, %get3A_908, %select_n3A_899 : vector<16xf32>
      %jit3A_911 = arith.constant 5.300000e+01 : f32
      %broadcast_in_dim3A_912 = vector.broadcast %jit3A_911 : f32 to vector<16xf32>
      %select_n3A_913 = arith.select %gt3A_910, %broadcast_in_dim3A_912, %select_n3A_897 : vector<16xi1>, vector<16xf32>
      %select_n3A_914 = arith.select %gt3A_909, %select_n3A_902, %select_n3A_913 : vector<16xi1>, vector<16xf32>
      %select_n3A_915 = arith.select %gt3A_910, %get3A_908, %select_n3A_899 : vector<16xi1>, vector<16xf32>
      %select_n3A_916 = arith.select %gt3A_909, %select_n3A_903, %select_n3A_915 : vector<16xi1>, vector<16xf32>
      %jit3A_917 = arith.constant 5.300000e+01 : f32
      %broadcast_in_dim3A_918 = vector.broadcast %jit3A_917 : f32 to vector<16xf32>
      %select_n3A_919 = arith.select %gt3A_909, %broadcast_in_dim3A_918, %select_n3A_902 : vector<16xi1>, vector<16xf32>
      %select_n3A_920 = arith.select %gt3A_909, %get3A_908, %select_n3A_903 : vector<16xi1>, vector<16xf32>
      %get3A_921 = arith.constant 54 : i32
      %get3A_922 = arith.index_cast %get3A_921 : i32 to index
      %get3A_923 = arith.index_cast %mul3A_13 : i32 to index
      %get3A_924 = tpu.vector_load %arg5[%get3A_922, %get3A_923] {strides = array<i32>} : memref<64x1024xf32, #tpu.memory_space<vmem>>, vector<1x16xf32>,
      %get3A_925 = vector.shape_cast %get3A_924 : vector<1x16xf32> to vector<16xf32>
      %gt3A_926 = arith.cmpf ogt, %get3A_925, %select_n3A_920 : vector<16xf32>
      %gt3A_927 = arith.cmpf ogt, %get3A_925, %select_n3A_916 : vector<16xf32>
      %jit3A_928 = arith.constant 5.400000e+01 : f32
      %broadcast_in_dim3A_929 = vector.broadcast %jit3A_928 : f32 to vector<16xf32>
      %select_n3A_930 = arith.select %gt3A_927, %broadcast_in_dim3A_929, %select_n3A_914 : vector<16xi1>, vector<16xf32>
      %select_n3A_931 = arith.select %gt3A_926, %select_n3A_919, %select_n3A_930 : vector<16xi1>, vector<16xf32>
      %select_n3A_932 = arith.select %gt3A_927, %get3A_925, %select_n3A_916 : vector<16xi1>, vector<16xf32>
      %select_n3A_933 = arith.select %gt3A_926, %select_n3A_920, %select_n3A_932 : vector<16xi1>, vector<16xf32>
      %jit3A_934 = arith.constant 5.400000e+01 : f32
      %broadcast_in_dim3A_935 = vector.broadcast %jit3A_934 : f32 to vector<16xf32>
      %select_n3A_936 = arith.select %gt3A_926, %broadcast_in_dim3A_935, %select_n3A_919 : vector<16xi1>, vector<16xf32>
      %select_n3A_937 = arith.select %gt3A_926, %get3A_925, %select_n3A_920 : vector<16xi1>, vector<16xf32>
      %get3A_938 = arith.constant 55 : i32
      %get3A_939 = arith.index_cast %get3A_938 : i32 to index
      %get3A_940 = arith.index_cast %mul3A_13 : i32 to index
      %get3A_941 = tpu.vector_load %arg5[%get3A_939, %get3A_940] {strides = array<i32>} : memref<64x1024xf32, #tpu.memory_space<vmem>>, vector<1x16xf32>,
      %get3A_942 = vector.shape_cast %get3A_941 : vector<1x16xf32> to vector<16xf32>
      %gt3A_943 = arith.cmpf ogt, %get3A_942, %select_n3A_937 : vector<16xf32>
      %gt3A_944 = arith.cmpf ogt, %get3A_942, %select_n3A_933 : vector<16xf32>
      %jit3A_945 = arith.constant 5.500000e+01 : f32
      %broadcast_in_dim3A_946 = vector.broadcast %jit3A_945 : f32 to vector<16xf32>
      %select_n3A_947 = arith.select %gt3A_944, %broadcast_in_dim3A_946, %select_n3A_931 : vector<16xi1>, vector<16xf32>
      %select_n3A_948 = arith.select %gt3A_943, %select_n3A_936, %select_n3A_947 : vector<16xi1>, vector<16xf32>
      %select_n3A_949 = arith.select %gt3A_944, %get3A_942, %select_n3A_933 : vector<16xi1>, vector<16xf32>
      %select_n3A_950 = arith.select %gt3A_943, %select_n3A_937, %select_n3A_949 : vector<16xi1>, vector<16xf32>
      %jit3A_951 = arith.constant 5.500000e+01 : f32
      %broadcast_in_dim3A_952 = vector.broadcast %jit3A_951 : f32 to vector<16xf32>
      %select_n3A_953 = arith.select %gt3A_943, %broadcast_in_dim3A_952, %select_n3A_936 : vector<16xi1>, vector<16xf32>
      %select_n3A_954 = arith.select %gt3A_943, %get3A_942, %select_n3A_937 : vector<16xi1>, vector<16xf32>
      %get3A_955 = arith.constant 56 : i32
      %get3A_956 = arith.index_cast %get3A_955 : i32 to index
      %get3A_957 = arith.index_cast %mul3A_13 : i32 to index
      %get3A_958 = tpu.vector_load %arg5[%get3A_956, %get3A_957] {strides = array<i32>} : memref<64x1024xf32, #tpu.memory_space<vmem>>, vector<1x16xf32>,
      %get3A_959 = vector.shape_cast %get3A_958 : vector<1x16xf32> to vector<16xf32>
      %gt3A_960 = arith.cmpf ogt, %get3A_959, %select_n3A_954 : vector<16xf32>
      %gt3A_961 = arith.cmpf ogt, %get3A_959, %select_n3A_950 : vector<16xf32>
      %jit3A_962 = arith.constant 5.600000e+01 : f32
      %broadcast_in_dim3A_963 = vector.broadcast %jit3A_962 : f32 to vector<16xf32>
      %select_n3A_964 = arith.select %gt3A_961, %broadcast_in_dim3A_963, %select_n3A_948 : vector<16xi1>, vector<16xf32>
      %select_n3A_965 = arith.select %gt3A_960, %select_n3A_953, %select_n3A_964 : vector<16xi1>, vector<16xf32>
      %select_n3A_966 = arith.select %gt3A_961, %get3A_959, %select_n3A_950 : vector<16xi1>, vector<16xf32>
      %select_n3A_967 = arith.select %gt3A_960, %select_n3A_954, %select_n3A_966 : vector<16xi1>, vector<16xf32>
      %jit3A_968 = arith.constant 5.600000e+01 : f32
      %broadcast_in_dim3A_969 = vector.broadcast %jit3A_968 : f32 to vector<16xf32>
      %select_n3A_970 = arith.select %gt3A_960, %broadcast_in_dim3A_969, %select_n3A_953 : vector<16xi1>, vector<16xf32>
      %select_n3A_971 = arith.select %gt3A_960, %get3A_959, %select_n3A_954 : vector<16xi1>, vector<16xf32>
      %get3A_972 = arith.constant 57 : i32
      %get3A_973 = arith.index_cast %get3A_972 : i32 to index
      %get3A_974 = arith.index_cast %mul3A_13 : i32 to index
      %get3A_975 = tpu.vector_load %arg5[%get3A_973, %get3A_974] {strides = array<i32>} : memref<64x1024xf32, #tpu.memory_space<vmem>>, vector<1x16xf32>,
      %get3A_976 = vector.shape_cast %get3A_975 : vector<1x16xf32> to vector<16xf32>
      %gt3A_977 = arith.cmpf ogt, %get3A_976, %select_n3A_971 : vector<16xf32>
      %gt3A_978 = arith.cmpf ogt, %get3A_976, %select_n3A_967 : vector<16xf32>
      %jit3A_979 = arith.constant 5.700000e+01 : f32
      %broadcast_in_dim3A_980 = vector.broadcast %jit3A_979 : f32 to vector<16xf32>
      %select_n3A_981 = arith.select %gt3A_978, %broadcast_in_dim3A_980, %select_n3A_965 : vector<16xi1>, vector<16xf32>
      %select_n3A_982 = arith.select %gt3A_977, %select_n3A_970, %select_n3A_981 : vector<16xi1>, vector<16xf32>
      %select_n3A_983 = arith.select %gt3A_978, %get3A_976, %select_n3A_967 : vector<16xi1>, vector<16xf32>
      %select_n3A_984 = arith.select %gt3A_977, %select_n3A_971, %select_n3A_983 : vector<16xi1>, vector<16xf32>
      %jit3A_985 = arith.constant 5.700000e+01 : f32
      %broadcast_in_dim3A_986 = vector.broadcast %jit3A_985 : f32 to vector<16xf32>
      %select_n3A_987 = arith.select %gt3A_977, %broadcast_in_dim3A_986, %select_n3A_970 : vector<16xi1>, vector<16xf32>
      %select_n3A_988 = arith.select %gt3A_977, %get3A_976, %select_n3A_971 : vector<16xi1>, vector<16xf32>
      %get3A_989 = arith.constant 58 : i32
      %get3A_990 = arith.index_cast %get3A_989 : i32 to index
      %get3A_991 = arith.index_cast %mul3A_13 : i32 to index
      %get3A_992 = tpu.vector_load %arg5[%get3A_990, %get3A_991] {strides = array<i32>} : memref<64x1024xf32, #tpu.memory_space<vmem>>, vector<1x16xf32>,
      %get3A_993 = vector.shape_cast %get3A_992 : vector<1x16xf32> to vector<16xf32>
      %gt3A_994 = arith.cmpf ogt, %get3A_993, %select_n3A_988 : vector<16xf32>
      %gt3A_995 = arith.cmpf ogt, %get3A_993, %select_n3A_984 : vector<16xf32>
      %jit3A_996 = arith.constant 5.800000e+01 : f32
      %broadcast_in_dim3A_997 = vector.broadcast %jit3A_996 : f32 to vector<16xf32>
      %select_n3A_998 = arith.select %gt3A_995, %broadcast_in_dim3A_997, %select_n3A_982 : vector<16xi1>, vector<16xf32>
      %select_n3A_999 = arith.select %gt3A_994, %select_n3A_987, %select_n3A_998 : vector<16xi1>, vector<16xf32>
      %select_n3A_1000 = arith.select %gt3A_995, %get3A_993, %select_n3A_984 : vector<16xi1>, vector<16xf32>
      %select_n3A_1001 = arith.select %gt3A_994, %select_n3A_988, %select_n3A_1000 : vector<16xi1>, vector<16xf32>
      %jit3A_1002 = arith.constant 5.800000e+01 : f32
      %broadcast_in_dim3A_1003 = vector.broadcast %jit3A_1002 : f32 to vector<16xf32>
      %select_n3A_1004 = arith.select %gt3A_994, %broadcast_in_dim3A_1003, %select_n3A_987 : vector<16xi1>, vector<16xf32>
      %select_n3A_1005 = arith.select %gt3A_994, %get3A_993, %select_n3A_988 : vector<16xi1>, vector<16xf32>
      %get3A_1006 = arith.constant 59 : i32
      %get3A_1007 = arith.index_cast %get3A_1006 : i32 to index
      %get3A_1008 = arith.index_cast %mul3A_13 : i32 to index
      %get3A_1009 = tpu.vector_load %arg5[%get3A_1007, %get3A_1008] {strides = array<i32>} : memref<64x1024xf32, #tpu.memory_space<vmem>>, vector<1x16xf32>,
      %get3A_1010 = vector.shape_cast %get3A_1009 : vector<1x16xf32> to vector<16xf32>
      %gt3A_1011 = arith.cmpf ogt, %get3A_1010, %select_n3A_1005 : vector<16xf32>
      %gt3A_1012 = arith.cmpf ogt, %get3A_1010, %select_n3A_1001 : vector<16xf32>
      %jit3A_1013 = arith.constant 5.900000e+01 : f32
      %broadcast_in_dim3A_1014 = vector.broadcast %jit3A_1013 : f32 to vector<16xf32>
      %select_n3A_1015 = arith.select %gt3A_1012, %broadcast_in_dim3A_1014, %select_n3A_999 : vector<16xi1>, vector<16xf32>
      %select_n3A_1016 = arith.select %gt3A_1011, %select_n3A_1004, %select_n3A_1015 : vector<16xi1>, vector<16xf32>
      %select_n3A_1017 = arith.select %gt3A_1012, %get3A_1010, %select_n3A_1001 : vector<16xi1>, vector<16xf32>
      %select_n3A_1018 = arith.select %gt3A_1011, %select_n3A_1005, %select_n3A_1017 : vector<16xi1>, vector<16xf32>
      %jit3A_1019 = arith.constant 5.900000e+01 : f32
      %broadcast_in_dim3A_1020 = vector.broadcast %jit3A_1019 : f32 to vector<16xf32>
      %select_n3A_1021 = arith.select %gt3A_1011, %broadcast_in_dim3A_1020, %select_n3A_1004 : vector<16xi1>, vector<16xf32>
      %select_n3A_1022 = arith.select %gt3A_1011, %get3A_1010, %select_n3A_1005 : vector<16xi1>, vector<16xf32>
      %get3A_1023 = arith.constant 60 : i32
      %get3A_1024 = arith.index_cast %get3A_1023 : i32 to index
      %get3A_1025 = arith.index_cast %mul3A_13 : i32 to index
      %get3A_1026 = tpu.vector_load %arg5[%get3A_1024, %get3A_1025] {strides = array<i32>} : memref<64x1024xf32, #tpu.memory_space<vmem>>, vector<1x16xf32>,
      %get3A_1027 = vector.shape_cast %get3A_1026 : vector<1x16xf32> to vector<16xf32>
      %gt3A_1028 = arith.cmpf ogt, %get3A_1027, %select_n3A_1022 : vector<16xf32>
      %gt3A_1029 = arith.cmpf ogt, %get3A_1027, %select_n3A_1018 : vector<16xf32>
      %jit3A_1030 = arith.constant 6.000000e+01 : f32
      %broadcast_in_dim3A_1031 = vector.broadcast %jit3A_1030 : f32 to vector<16xf32>
      %select_n3A_1032 = arith.select %gt3A_1029, %broadcast_in_dim3A_1031, %select_n3A_1016 : vector<16xi1>, vector<16xf32>
      %select_n3A_1033 = arith.select %gt3A_1028, %select_n3A_1021, %select_n3A_1032 : vector<16xi1>, vector<16xf32>
      %select_n3A_1034 = arith.select %gt3A_1029, %get3A_1027, %select_n3A_1018 : vector<16xi1>, vector<16xf32>
      %select_n3A_1035 = arith.select %gt3A_1028, %select_n3A_1022, %select_n3A_1034 : vector<16xi1>, vector<16xf32>
      %jit3A_1036 = arith.constant 6.000000e+01 : f32
      %broadcast_in_dim3A_1037 = vector.broadcast %jit3A_1036 : f32 to vector<16xf32>
      %select_n3A_1038 = arith.select %gt3A_1028, %broadcast_in_dim3A_1037, %select_n3A_1021 : vector<16xi1>, vector<16xf32>
      %select_n3A_1039 = arith.select %gt3A_1028, %get3A_1027, %select_n3A_1022 : vector<16xi1>, vector<16xf32>
      %get3A_1040 = arith.constant 61 : i32
      %get3A_1041 = arith.index_cast %get3A_1040 : i32 to index
      %get3A_1042 = arith.index_cast %mul3A_13 : i32 to index
      %get3A_1043 = tpu.vector_load %arg5[%get3A_1041, %get3A_1042] {strides = array<i32>} : memref<64x1024xf32, #tpu.memory_space<vmem>>, vector<1x16xf32>,
      %get3A_1044 = vector.shape_cast %get3A_1043 : vector<1x16xf32> to vector<16xf32>
      %gt3A_1045 = arith.cmpf ogt, %get3A_1044, %select_n3A_1039 : vector<16xf32>
      %gt3A_1046 = arith.cmpf ogt, %get3A_1044, %select_n3A_1035 : vector<16xf32>
      %jit3A_1047 = arith.constant 6.100000e+01 : f32
      %broadcast_in_dim3A_1048 = vector.broadcast %jit3A_1047 : f32 to vector<16xf32>
      %select_n3A_1049 = arith.select %gt3A_1046, %broadcast_in_dim3A_1048, %select_n3A_1033 : vector<16xi1>, vector<16xf32>
      %select_n3A_1050 = arith.select %gt3A_1045, %select_n3A_1038, %select_n3A_1049 : vector<16xi1>, vector<16xf32>
      %select_n3A_1051 = arith.select %gt3A_1046, %get3A_1044, %select_n3A_1035 : vector<16xi1>, vector<16xf32>
      %select_n3A_1052 = arith.select %gt3A_1045, %select_n3A_1039, %select_n3A_1051 : vector<16xi1>, vector<16xf32>
      %jit3A_1053 = arith.constant 6.100000e+01 : f32
      %broadcast_in_dim3A_1054 = vector.broadcast %jit3A_1053 : f32 to vector<16xf32>
      %select_n3A_1055 = arith.select %gt3A_1045, %broadcast_in_dim3A_1054, %select_n3A_1038 : vector<16xi1>, vector<16xf32>
      %select_n3A_1056 = arith.select %gt3A_1045, %get3A_1044, %select_n3A_1039 : vector<16xi1>, vector<16xf32>
      %get3A_1057 = arith.constant 62 : i32
      %get3A_1058 = arith.index_cast %get3A_1057 : i32 to index
      %get3A_1059 = arith.index_cast %mul3A_13 : i32 to index
      %get3A_1060 = tpu.vector_load %arg5[%get3A_1058, %get3A_1059] {strides = array<i32>} : memref<64x1024xf32, #tpu.memory_space<vmem>>, vector<1x16xf32>,
      %get3A_1061 = vector.shape_cast %get3A_1060 : vector<1x16xf32> to vector<16xf32>
      %gt3A_1062 = arith.cmpf ogt, %get3A_1061, %select_n3A_1056 : vector<16xf32>
      %gt3A_1063 = arith.cmpf ogt, %get3A_1061, %select_n3A_1052 : vector<16xf32>
      %jit3A_1064 = arith.constant 6.200000e+01 : f32
      %broadcast_in_dim3A_1065 = vector.broadcast %jit3A_1064 : f32 to vector<16xf32>
      %select_n3A_1066 = arith.select %gt3A_1063, %broadcast_in_dim3A_1065, %select_n3A_1050 : vector<16xi1>, vector<16xf32>
      %select_n3A_1067 = arith.select %gt3A_1062, %select_n3A_1055, %select_n3A_1066 : vector<16xi1>, vector<16xf32>
      %select_n3A_1068 = arith.select %gt3A_1063, %get3A_1061, %select_n3A_1052 : vector<16xi1>, vector<16xf32>
      %select_n3A_1069 = arith.select %gt3A_1062, %select_n3A_1056, %select_n3A_1068 : vector<16xi1>, vector<16xf32>
      %jit3A_1070 = arith.constant 6.200000e+01 : f32
      %broadcast_in_dim3A_1071 = vector.broadcast %jit3A_1070 : f32 to vector<16xf32>
      %select_n3A_1072 = arith.select %gt3A_1062, %broadcast_in_dim3A_1071, %select_n3A_1055 : vector<16xi1>, vector<16xf32>
      %select_n3A_1073 = arith.select %gt3A_1062, %get3A_1061, %select_n3A_1056 : vector<16xi1>, vector<16xf32>
      %get3A_1074 = arith.constant 63 : i32
      %get3A_1075 = arith.index_cast %get3A_1074 : i32 to index
      %get3A_1076 = arith.index_cast %mul3A_13 : i32 to index
      %get3A_1077 = tpu.vector_load %arg5[%get3A_1075, %get3A_1076] {strides = array<i32>} : memref<64x1024xf32, #tpu.memory_space<vmem>>, vector<1x16xf32>,
      %get3A_1078 = vector.shape_cast %get3A_1077 : vector<1x16xf32> to vector<16xf32>
      %gt3A_1079 = arith.cmpf ogt, %get3A_1078, %select_n3A_1073 : vector<16xf32>
      %gt3A_1080 = arith.cmpf ogt, %get3A_1078, %select_n3A_1069 : vector<16xf32>
      %jit3A_1081 = arith.constant 6.300000e+01 : f32
      %broadcast_in_dim3A_1082 = vector.broadcast %jit3A_1081 : f32 to vector<16xf32>
      %select_n3A_1083 = arith.select %gt3A_1080, %broadcast_in_dim3A_1082, %select_n3A_1067 : vector<16xi1>, vector<16xf32>
      %select_n3A_1084 = arith.select %gt3A_1079, %select_n3A_1072, %select_n3A_1083 : vector<16xi1>, vector<16xf32>
      %select_n3A_1085 = arith.select %gt3A_1080, %get3A_1078, %select_n3A_1069 : vector<16xi1>, vector<16xf32>
      %select_n3A_1086 = arith.select %gt3A_1079, %select_n3A_1073, %select_n3A_1085 : vector<16xi1>, vector<16xf32>
      %jit3A_1087 = arith.constant 6.300000e+01 : f32
      %broadcast_in_dim3A_1088 = vector.broadcast %jit3A_1087 : f32 to vector<16xf32>
      %select_n3A_1089 = arith.select %gt3A_1079, %broadcast_in_dim3A_1088, %select_n3A_1072 : vector<16xi1>, vector<16xf32>
      %select_n3A_1090 = arith.select %gt3A_1079, %get3A_1078, %select_n3A_1073 : vector<16xi1>, vector<16xf32>
      %sub3A = arith.subf %select_n3A_1086, %select_n3A_1090 : vector<16xf32>
      %exp3A = math.exp %sub3A : vector<16xf32>
      %add3A_1091 = arith.constant 1.000000e+00 : f32
      %add3A_1092 = vector.broadcast %add3A_1091 : f32 to vector<16xf32>
      %add3A_1093 = arith.addf %add3A_1092, %exp3A : vector<16xf32>
      %div3A = arith.constant 1.000000e+00 : f32
      %div3A_1094 = vector.broadcast %div3A : f32 to vector<16xf32>
      %div3A_1095 = arith.divf %div3A_1094, %add3A_1093 : vector<16xf32>
      %convert_element_type3A = arith.fptosi %select_n3A_1089 : vector<16xf32> to vector<16xi32>
      %swap3A = arith.index_cast %mul3A_13 : i32 to index
      %swap3A_1096 = tpu.vector_load %arg6[%swap3A] {strides = array<i32>} : memref<1024xi32, #tpu.memory_space<vmem>>, vector<16xi32>,
      %swap3A_1097 = vector.shape_cast %swap3A_1096 : vector<16xi32> to vector<16xi32>
      %swap3A_1098 = vector.shape_cast %convert_element_type3A : vector<16xi32> to vector<16xi32>
      tpu.vector_store %arg6[%swap3A], %swap3A_1098 {strides = array<i32>} : memref<1024xi32, #tpu.memory_space<vmem>>, vector<16xi32>,
      %convert_element_type3A_1099 = arith.fptosi %select_n3A_1084 : vector<16xf32> to vector<16xi32>
      %swap3A_1100 = arith.index_cast %mul3A_13 : i32 to index
      %swap3A_1101 = tpu.vector_load %arg7[%swap3A_1100] {strides = array<i32>} : memref<1024xi32, #tpu.memory_space<vmem>>, vector<16xi32>,
      %swap3A_1102 = vector.shape_cast %swap3A_1101 : vector<16xi32> to vector<16xi32>
      %swap3A_1103 = vector.shape_cast %convert_element_type3A_1099 : vector<16xi32> to vector<16xi32>
      tpu.vector_store %arg7[%swap3A_1100], %swap3A_1103 {strides = array<i32>} : memref<1024xi32, #tpu.memory_space<vmem>>, vector<16xi32>,
      %swap3A_1104 = arith.index_cast %mul3A_13 : i32 to index
      %swap3A_1105 = tpu.vector_load %arg8[%swap3A_1104] {strides = array<i32>} : memref<1024xf32, #tpu.memory_space<vmem>>, vector<16xf32>,
      %swap3A_1106 = vector.shape_cast %swap3A_1105 : vector<16xf32> to vector<16xf32>
      %swap3A_1107 = vector.shape_cast %div3A_1095 : vector<16xf32> to vector<16xf32>
      tpu.vector_store %arg8[%swap3A_1104], %swap3A_1107 {strides = array<i32>} : memref<1024xf32, #tpu.memory_space<vmem>>, vector<16xf32>,
      %mul3A_1108 = arith.mulf %exp3A, %div3A_1095 : vector<16xf32>
      %swap3A_1109 = arith.index_cast %mul3A_13 : i32 to index
      %swap3A_1110 = tpu.vector_load %arg9[%swap3A_1109] {strides = array<i32>} : memref<1024xf32, #tpu.memory_space<vmem>>, vector<16xf32>,
      %swap3A_1111 = vector.shape_cast %swap3A_1110 : vector<16xf32> to vector<16xf32>
      %swap3A_1112 = vector.shape_cast %mul3A_1108 : vector<16xf32> to vector<16xf32>
      tpu.vector_store %arg9[%swap3A_1109], %swap3A_1112 {strides = array<i32>} : memref<1024xf32, #tpu.memory_space<vmem>>, vector<16xf32>,
    }
    %scan3A_7 = arith.constant 64 : i32
    %run_scoped3A = arith.constant 0 : i32
    "tpu.region"() ({
      %run_scoped3A_11 = tpu.sem_alloc : memref<!tpu.dma_semaphore, #tpu.memory_space<semaphore_mem>>
      %dma_start3A = tpu.memref_slice %arg3[%run_scoped3A, %mul3A_2] : memref<2x32768xi32, #tpu.memory_space<hbm>> -> memref<1x1024xi32, #tpu.memory_space<hbm>>
      %dma_start3A_12 = tpu.memref_squeeze %dma_start3A : memref<1x1024xi32, #tpu.memory_space<hbm>> -> memref<1024xi32, #tpu.memory_space<hbm>>
      %dma_start3A_13 = tpu.memref_slice %arg3[%run_scoped3A, %mul3A_2] : memref<2x32768xi32, #tpu.memory_space<hbm>> -> memref<1x1024xi32, #tpu.memory_space<hbm>>
      %dma_start3A_14 = tpu.memref_squeeze %dma_start3A_13 : memref<1x1024xi32, #tpu.memory_space<hbm>> -> memref<1024xi32, #tpu.memory_space<hbm>>
      tpu.enqueue_dma source(%arg6 : memref<1024xi32, #tpu.memory_space<vmem>>) target(%dma_start3A_14 : memref<1024xi32, #tpu.memory_space<hbm>>) target_semaphore(%run_scoped3A_11 : memref<!tpu.dma_semaphore, #tpu.memory_space<semaphore_mem>>)
      %dma_wait3A = tpu.memref_slice %arg3[%run_scoped3A, %mul3A_2] : memref<2x32768xi32, #tpu.memory_space<hbm>> -> memref<1x1024xi32, #tpu.memory_space<hbm>>
      %dma_wait3A_15 = tpu.memref_squeeze %dma_wait3A : memref<1x1024xi32, #tpu.memory_space<hbm>> -> memref<1024xi32, #tpu.memory_space<hbm>>
      %dma_wait3A_16 = tpu.memref_slice %arg3[%run_scoped3A, %mul3A_2] : memref<2x32768xi32, #tpu.memory_space<hbm>> -> memref<1x1024xi32, #tpu.memory_space<hbm>>
      %dma_wait3A_17 = tpu.memref_squeeze %dma_wait3A_16 : memref<1x1024xi32, #tpu.memory_space<hbm>> -> memref<1024xi32, #tpu.memory_space<hbm>>
      tpu.wait_dma2 semaphore(%run_scoped3A_11 : memref<!tpu.dma_semaphore, #tpu.memory_space<semaphore_mem>>) src(%arg6 : memref<1024xi32, #tpu.memory_space<vmem>>) dst(%dma_wait3A_17 : memref<1024xi32, #tpu.memory_space<hbm>>)
      tpu.yield
    }) : () -> ()
    %run_scoped3A_8 = arith.constant 1 : i32
    "tpu.region"() ({
      %run_scoped3A_11 = tpu.sem_alloc : memref<!tpu.dma_semaphore, #tpu.memory_space<semaphore_mem>>
      %dma_start3A = tpu.memref_slice %arg3[%run_scoped3A_8, %mul3A_2] : memref<2x32768xi32, #tpu.memory_space<hbm>> -> memref<1x1024xi32, #tpu.memory_space<hbm>>
      %dma_start3A_12 = tpu.memref_squeeze %dma_start3A : memref<1x1024xi32, #tpu.memory_space<hbm>> -> memref<1024xi32, #tpu.memory_space<hbm>>
      %dma_start3A_13 = tpu.memref_slice %arg3[%run_scoped3A_8, %mul3A_2] : memref<2x32768xi32, #tpu.memory_space<hbm>> -> memref<1x1024xi32, #tpu.memory_space<hbm>>
      %dma_start3A_14 = tpu.memref_squeeze %dma_start3A_13 : memref<1x1024xi32, #tpu.memory_space<hbm>> -> memref<1024xi32, #tpu.memory_space<hbm>>
      tpu.enqueue_dma source(%arg7 : memref<1024xi32, #tpu.memory_space<vmem>>) target(%dma_start3A_14 : memref<1024xi32, #tpu.memory_space<hbm>>) target_semaphore(%run_scoped3A_11 : memref<!tpu.dma_semaphore, #tpu.memory_space<semaphore_mem>>)
      %dma_wait3A = tpu.memref_slice %arg3[%run_scoped3A_8, %mul3A_2] : memref<2x32768xi32, #tpu.memory_space<hbm>> -> memref<1x1024xi32, #tpu.memory_space<hbm>>
      %dma_wait3A_15 = tpu.memref_squeeze %dma_wait3A : memref<1x1024xi32, #tpu.memory_space<hbm>> -> memref<1024xi32, #tpu.memory_space<hbm>>
      %dma_wait3A_16 = tpu.memref_slice %arg3[%run_scoped3A_8, %mul3A_2] : memref<2x32768xi32, #tpu.memory_space<hbm>> -> memref<1x1024xi32, #tpu.memory_space<hbm>>
      %dma_wait3A_17 = tpu.memref_squeeze %dma_wait3A_16 : memref<1x1024xi32, #tpu.memory_space<hbm>> -> memref<1024xi32, #tpu.memory_space<hbm>>
      tpu.wait_dma2 semaphore(%run_scoped3A_11 : memref<!tpu.dma_semaphore, #tpu.memory_space<semaphore_mem>>) src(%arg7 : memref<1024xi32, #tpu.memory_space<vmem>>) dst(%dma_wait3A_17 : memref<1024xi32, #tpu.memory_space<hbm>>)
      tpu.yield
    }) : () -> ()
    %run_scoped3A_9 = arith.constant 0 : i32
    "tpu.region"() ({
      %run_scoped3A_11 = tpu.sem_alloc : memref<!tpu.dma_semaphore, #tpu.memory_space<semaphore_mem>>
      %dma_start3A = tpu.memref_slice %arg4[%run_scoped3A_9, %mul3A_2] : memref<2x32768xf32, #tpu.memory_space<hbm>> -> memref<1x1024xf32, #tpu.memory_space<hbm>>
      %dma_start3A_12 = tpu.memref_squeeze %dma_start3A : memref<1x1024xf32, #tpu.memory_space<hbm>> -> memref<1024xf32, #tpu.memory_space<hbm>>
      %dma_start3A_13 = tpu.memref_slice %arg4[%run_scoped3A_9, %mul3A_2] : memref<2x32768xf32, #tpu.memory_space<hbm>> -> memref<1x1024xf32, #tpu.memory_space<hbm>>
      %dma_start3A_14 = tpu.memref_squeeze %dma_start3A_13 : memref<1x1024xf32, #tpu.memory_space<hbm>> -> memref<1024xf32, #tpu.memory_space<hbm>>
      tpu.enqueue_dma source(%arg8 : memref<1024xf32, #tpu.memory_space<vmem>>) target(%dma_start3A_14 : memref<1024xf32, #tpu.memory_space<hbm>>) target_semaphore(%run_scoped3A_11 : memref<!tpu.dma_semaphore, #tpu.memory_space<semaphore_mem>>)
      %dma_wait3A = tpu.memref_slice %arg4[%run_scoped3A_9, %mul3A_2] : memref<2x32768xf32, #tpu.memory_space<hbm>> -> memref<1x1024xf32, #tpu.memory_space<hbm>>
      %dma_wait3A_15 = tpu.memref_squeeze %dma_wait3A : memref<1x1024xf32, #tpu.memory_space<hbm>> -> memref<1024xf32, #tpu.memory_space<hbm>>
      %dma_wait3A_16 = tpu.memref_slice %arg4[%run_scoped3A_9, %mul3A_2] : memref<2x32768xf32, #tpu.memory_space<hbm>> -> memref<1x1024xf32, #tpu.memory_space<hbm>>
      %dma_wait3A_17 = tpu.memref_squeeze %dma_wait3A_16 : memref<1x1024xf32, #tpu.memory_space<hbm>> -> memref<1024xf32, #tpu.memory_space<hbm>>
      tpu.wait_dma2 semaphore(%run_scoped3A_11 : memref<!tpu.dma_semaphore, #tpu.memory_space<semaphore_mem>>) src(%arg8 : memref<1024xf32, #tpu.memory_space<vmem>>) dst(%dma_wait3A_17 : memref<1024xf32, #tpu.memory_space<hbm>>)
      tpu.yield
    }) : () -> ()
    %run_scoped3A_10 = arith.constant 1 : i32
    "tpu.region"() ({
      %run_scoped3A_11 = tpu.sem_alloc : memref<!tpu.dma_semaphore, #tpu.memory_space<semaphore_mem>>
      %dma_start3A = tpu.memref_slice %arg4[%run_scoped3A_10, %mul3A_2] : memref<2x32768xf32, #tpu.memory_space<hbm>> -> memref<1x1024xf32, #tpu.memory_space<hbm>>
      %dma_start3A_12 = tpu.memref_squeeze %dma_start3A : memref<1x1024xf32, #tpu.memory_space<hbm>> -> memref<1024xf32, #tpu.memory_space<hbm>>
      %dma_start3A_13 = tpu.memref_slice %arg4[%run_scoped3A_10, %mul3A_2] : memref<2x32768xf32, #tpu.memory_space<hbm>> -> memref<1x1024xf32, #tpu.memory_space<hbm>>
      %dma_start3A_14 = tpu.memref_squeeze %dma_start3A_13 : memref<1x1024xf32, #tpu.memory_space<hbm>> -> memref<1024xf32, #tpu.memory_space<hbm>>
      tpu.enqueue_dma source(%arg9 : memref<1024xf32, #tpu.memory_space<vmem>>) target(%dma_start3A_14 : memref<1024xf32, #tpu.memory_space<hbm>>) target_semaphore(%run_scoped3A_11 : memref<!tpu.dma_semaphore, #tpu.memory_space<semaphore_mem>>)
      %dma_wait3A = tpu.memref_slice %arg4[%run_scoped3A_10, %mul3A_2] : memref<2x32768xf32, #tpu.memory_space<hbm>> -> memref<1x1024xf32, #tpu.memory_space<hbm>>
      %dma_wait3A_15 = tpu.memref_squeeze %dma_wait3A : memref<1x1024xf32, #tpu.memory_space<hbm>> -> memref<1024xf32, #tpu.memory_space<hbm>>
      %dma_wait3A_16 = tpu.memref_slice %arg4[%run_scoped3A_10, %mul3A_2] : memref<2x32768xf32, #tpu.memory_space<hbm>> -> memref<1x1024xf32, #tpu.memory_space<hbm>>
      %dma_wait3A_17 = tpu.memref_squeeze %dma_wait3A_16 : memref<1x1024xf32, #tpu.memory_space<hbm>> -> memref<1024xf32, #tpu.memory_space<hbm>>
      tpu.wait_dma2 semaphore(%run_scoped3A_11 : memref<!tpu.dma_semaphore, #tpu.memory_space<semaphore_mem>>) src(%arg9 : memref<1024xf32, #tpu.memory_space<vmem>>) dst(%dma_wait3A_17 : memref<1024xf32, #tpu.memory_space<hbm>>)
      tpu.yield
    }) : () -> ()
    return
  }
}

module attributes {stable_mosaic.version = 14 : i64} {
  func.func @_logits_block(%arg0: i32, %arg1: memref<4096x768xf32, #tpu.memory_space<vmem>>, %arg2: memref<768x64xf32, #tpu.memory_space<vmem>>, %arg3: memref<64x4096xf32, #tpu.memory_space<vmem>>) attributes {dimension_semantics = [#tpu.dimension_semantics<arbitrary>], iteration_bounds = array<i64: 8>, scalar_prefetch = 0 : i64, scratch_operands = 0 : i64, tpu.core_type = #tpu.core_type<tc>, window_params = [{transform_indices = @transform_0, window_bounds = array<i64: 4096, 768>}, {pipeline_mode = #tpu.pipeline_mode<synchronous>, transform_indices = @transform_1, window_bounds = array<i64: 768, 64>}, {transform_indices = @transform_2, window_bounds = array<i64: 64, 4096>}]} {
    %get3A = arith.constant 0 : index
    %get3A_0 = arith.constant 0 : index
    %get3A_1 = vector.load %arg2[%get3A, %get3A_0] : memref<768x64xf32, #tpu.memory_space<vmem>>, vector<768x64xf32>
    %get3A_2 = arith.constant 0 : index
    %get3A_3 = arith.constant 0 : index
    %get3A_4 = vector.load %arg1[%get3A_2, %get3A_3] : memref<4096x768xf32, #tpu.memory_space<vmem>>, vector<4096x768xf32>
    %dot_general3A = arith.constant dense<0.000000e+00> : vector<64x4096xf32>
    %dot_general3A_5 = tpu.matmul %get3A_1, %get3A_4, %dot_general3A {dimension_numbers = #tpu.dot_dimension_numbers<[0], [1], [1], [0], [0, 1, 1, 0], [], []>, transpose_lhs_hint = false} : vector<768x64xf32>, vector<4096x768xf32>, vector<64x4096xf32> -> vector<64x4096xf32>
    %swap3A = arith.constant 0 : index
    %swap3A_6 = arith.constant 0 : index
    %swap3A_7 = vector.load %arg3[%swap3A, %swap3A_6] : memref<64x4096xf32, #tpu.memory_space<vmem>>, vector<64x4096xf32>
    tpu.vector_store %arg3[%swap3A, %swap3A_6], %dot_general3A_5 {strides = array<i32>} : memref<64x4096xf32, #tpu.memory_space<vmem>>, vector<64x4096xf32>,
    return
  }
  func.func @transform_0(%arg0: i32) -> (i32, i32) {
    %c0_i32 = arith.constant 0 : i32
    %c0_i32_0 = arith.constant 0 : i32
    return %arg0, %c0_i32 : i32, i32
  }
  func.func @transform_1(%arg0: i32) -> (i32, i32) {
    %c0_i32 = arith.constant 0 : i32
    %c0_i32_0 = arith.constant 0 : i32
    %c0_i32_1 = arith.constant 0 : i32
    return %c0_i32, %c0_i32_0 : i32, i32
  }
  func.func @transform_2(%arg0: i32) -> (i32, i32) {
    %c0_i32 = arith.constant 0 : i32
    %c0_i32_0 = arith.constant 0 : i32
    return %c0_i32, %arg0 : i32, i32
  }
}

</mosaic_0001>

<sc_bundles>
// kernel: kernel.4.cloned.1.call-start
scs
__scs_entry_jumppad:
0x0: {  	(pc) =	sbr.rel $0x88, $3  }
0x1: {  	(tag) =	ssettag $0x0;
	lr =	simm.s32 $0x1  }
0x2: {  	[smem:$0x3F9F] =	sst lr;
	_ =	strace $0xD0000000  }
0x3: {  	_ = 	snop  }
0x4: {  	_ = 	snop  }
0x5: {  	_ = 	snop  }
0x6: {  	_ = 	snop  }
0x7: {  	_ = 	snop  }
__scs_overlays_trampoline_lowered:
0x8: {  	[smem:$0x3FAE] =	sst s0  }
0x9: {  	[smem:$0x3FAF] =	sst s1  }
0xa: {  	[smem:$0x3FB0] =	sst s2  }
0xb: {  	[smem:$0x3FB1] =	sst s3  }
0xc: {  	[smem:$0x3FB2] =	sst s4  }
0xd: {  	[smem:$0x3FB3] =	sst s5  }
0xe: {  	[smem:$0x3FB4] =	sst s6  }
0xf: {  	[smem:$0x3FB5] =	sst s7  }
0x10: {  	[smem:$0x3FB6] =	sst s8  }
0x11: {  	[smem:$0x3FB7] =	sst s9;
	s0 =	simm.s32 @!p0 $0x0  }
0x12: {  	s1 =	sld [smem:$0x3F9D];
	s0 =	simm.s32 @p0 $0x1  }
0x13: {  	[smem:$0x3FB8] =	sst s0;
	s0 =	simm.s32 @!p1 $0x0  }
0x14: {  	s2 =	sld [smem:$0x3F9C];
	s0 =	simm.s32 @p1 $0x1  }
0x15: {  	[smem:$0x3FB9] =	sst s0;
	s0 =	simm.s32 @!p2 $0x0  }
0x16: {  	s3 =	sld [smem:$0x3FDB];
	s0 =	simm.s32 @p2 $0x1  }
0x17: {  	s4 =	simm.s32 $0x1BF5;
	[smem:$0x3FBB] =	sst s0  }
0x18: {  	s0 =	sld [smem:$0x3F9E];
	_ =	swait.ge [sflag:s4], $0x0  }
0x19: {  	s7 =	sld [smem:$0x3F9F]  }
0x1a: {  	s8 =	sadd.s32 $0xFFFFE003, lr  }
0x1b: {  	s9 =	sadd.s32 $0xFFFFFEF7, lr;
	s5 =	simm.s32 $0xFFFFFFFF;
	p2 =	slt.u32 s8, $0xFFFFF086  }
0x1c: {  	p1 =	slt.u32 s9, $0xF7A;
	s5 =	simm.s32 @!p2 $0x0  }
0x1d: {  	s5 =	simm.s32 @p1 $0x1;
	p0 =	seq.s32 s7, s2  }
0x1e: {  	s7 =	smul.u32 @!p0 $0xF7A, s2;
	p2 =	seq.s32 @!p0 s5, $0x0  }
0x1f: {  	s9 =	smul.u32 $0xF7A, s1;
	s8 =	simm.s32 @!p0 $0x1BF5;
	p2 =	por !p2, p0  }
0x20: {  	[sflag:s8] =	ssyncset.s32 @!p0 $0xFFFFF086;
	s6 =	sadd.s32 @!p0 s3, s7;
	s7 =	simm.s32 @!p0 $0x108  }
0x21: {  	s3 =	sadd.s32 s3, s9;
	s6 =	sadd.s32 @!p0 $0x88, s6;
	s7 =	simm.s32 @p2 $0x1082  }
0x22: {  	[simem:s7], [sflag:s8] =	dma.local @!p0 [hbm:s6], $0xF7A  }
0x23: {  	s9 =	sor.u32 $0xD0000000, s2;
	s6 =	simm.s32 $0x108;
	_ =	swait.ge @!p0 [sflag:s8], $0x0  }
0x24: {  	s3 =	sadd.s32 $0x88, s3;
	s6 =	simm.s32 @!p1 $0x1082;
	[sflag:s4] =	ssyncset.s32 $0xFFFFF086  }
0x25: {  	[simem:s6], [sflag:s4] =	dma.local [hbm:s3], $0xF7A  }
0x26: {  	[smem:$0x3F9F] =	sst s1;
	(tag) =	ssettag s2;
	_ =	strace s9  }
0x27: {  	s1 =	sld [smem:$0x3FAF]  }
0x28: {  	s2 =	sld [smem:$0x3FB0]  }
0x29: {  	s4 =	sld [smem:$0x3FB2]  }
0x2a: {  	p0 =	seq.s32 s5, $0x0;
	s5 =	sld [smem:$0x3FB3]  }
0x2b: {  	s6 =	sld [smem:$0x3FB4]  }
0x2c: {  	s7 =	sld [smem:$0x3FB5]  }
0x2d: {  	s3 =	simm.s32 $0x108;
	s8 =	sld [smem:$0x3FB6]  }
0x2e: {  	s3 =	simm.s32 @!p0 $0x1082;
	s9 =	sld [smem:$0x3FB7]  }
0x2f: {  	lr =	sadd.s32 s0, s3;
	s0 =	sld [smem:$0x3FAE]  }
0x30: {  	s3 =	sld [smem:$0x3FB1]  }
0x31: {  	[smem:$0x3FBA] =	sst s10  }
0x32: {  	s10 =	sld [smem:$0x3FB8];
	_ =	sdelay $0x3  }
0x33: {  	p0 =	seq.s32 s10, $0x1;
	s10 =	sld [smem:$0x3FBA];
	_ =	sdelay $0x3  }
0x34: {  	[smem:$0x3FBA] =	sst s10  }
0x35: {  	s10 =	sld [smem:$0x3FB9];
	_ =	sdelay $0x3  }
0x36: {  	p1 =	seq.s32 s10, $0x1;
	s10 =	sld [smem:$0x3FBA];
	_ =	sdelay $0x3  }
0x37: {  	[smem:$0x3FBA] =	sst s10  }
0x38: {  	s10 =	sld [smem:$0x3FBB]  }
0x39: {  	_ = 	snop;
	(pc) =	sbr.ind lr, $3  }
0x3a: {  	_ = 	snop  }
0x3b: {  	_ = 	snop  }
0x3c: {  	p2 =	seq.s32 s10, $0x1;
	s10 =	sld [smem:$0x3FBA]  }
0x3d: {  	_ =	shalt  }
0x3e: {  	_ =	shalt  }
0x3f: {  	_ =	shalt  }
0x40: {  	_ =	shalt  }
0x41: {  	_ =	shalt  }
0x42: {  	_ =	shalt  }
0x43: {  	_ =	shalt  }
0x44: {  	_ =	shalt  }
0x45: {  	_ =	shalt  }
0x46: {  	_ =	shalt  }
0x47: {  	_ =	shalt  }
0x48: {  	_ =	shalt  }
0x49: {  	_ =	shalt  }
0x4a: {  	_ =	shalt  }
0x4b: {  	_ =	shalt  }
0x4c: {  	_ =	shalt  }
0x4d: {  	_ =	shalt  }
0x4e: {  	_ =	shalt  }
0x4f: {  	_ =	shalt  }
0x50: {  	_ =	shalt  }
0x51: {  	_ =	shalt  }
0x52: {  	_ =	shalt  }
0x53: {  	_ =	shalt  }
0x54: {  	_ =	shalt  }
0x55: {  	_ =	shalt  }
0x56: {  	_ =	shalt  }
0x57: {  	_ =	shalt  }
0x58: {  	_ =	shalt  }
0x59: {  	_ =	shalt  }
0x5a: {  	_ =	shalt  }
0x5b: {  	_ =	shalt  }
0x5c: {  	_ =	shalt  }
0x5d: {  	_ =	shalt  }
0x5e: {  	_ =	shalt  }
0x5f: {  	_ =	shalt  }
0x60: {  	_ =	shalt  }
0x61: {  	_ =	shalt  }
0x62: {  	_ =	shalt  }
0x63: {  	_ =	shalt  }
0x64: {  	_ =	shalt  }
0x65: {  	_ =	shalt  }
0x66: {  	_ =	shalt  }
0x67: {  	_ =	shalt  }
0x68: {  	_ =	shalt  }
0x69: {  	_ =	shalt  }
0x6a: {  	_ =	shalt  }
0x6b: {  	_ =	shalt  }
0x6c: {  	_ =	shalt  }
0x6d: {  	_ =	shalt  }
0x6e: {  	_ =	shalt  }
0x6f: {  	_ =	shalt  }
0x70: {  	_ =	shalt  }
0x71: {  	_ =	shalt  }
0x72: {  	_ =	shalt  }
0x73: {  	_ =	shalt  }
0x74: {  	_ =	shalt  }
0x75: {  	_ =	shalt  }
0x76: {  	_ =	shalt  }
0x77: {  	_ =	shalt  }
0x78: {  	_ =	shalt  }
0x79: {  	_ =	shalt  }
0x7a: {  	_ =	shalt  }
0x7b: {  	_ =	shalt  }
0x7c: {  	_ =	shalt  }
0x7d: {  	_ =	shalt  }
0x7e: {  	_ =	shalt  }
0x7f: {  	_ =	shalt  }
0x80: {  	_ =	shalt  }
0x81: {  	_ =	shalt  }
0x82: {  	_ =	shalt  }
0x83: {  	_ =	shalt  }
0x84: {  	_ =	shalt  }
0x85: {  	_ =	shalt  }
0x86: {  	_ =	shalt  }
0x87: {  	_ =	shalt  }
.Lfunc_end0:
.L_simem_size_0:
called_computation_lowered:
.L_overlay_start_0:
0x88: {  	s2 =	sld [smem:$0x3FD9]  }
0x89: {  	s3 =	sld [smem:$0x3FFE];
	_ =	sdelay $0x1  }
0x8a: {  	s1 =	srdreg.scid  }
0x8b: {  	s0 =	sand.u32 $0x1, s1  }
0x8c: {  	s14 =	sshll.u32 s0, $0xA;
	s2 =	sadd.s32 s3, s2  }
0x8d: {  	s2 =	sadd.s32 s2, s14  }
0x8e: {  	[smem:$0x3FC6] =	sst s2  }
0x8f: {  	_ = 	snop  }
0x90: {  	s2 =	sld [smem:$0x3FD0];
	_ =	sdelay $0x2  }
0x91: {  	s15 =	simm.s32 $0xA;
	s4 =	simm.s32 $0x10  }
0x92: {  	[smem:s4], [sflag:s15] =	dma.local [hbm:s2], $0x1  }
0x93: {  	_ =	swait.eq [sflag:s15], $0x1  }
0x94: {  	[sflag:s15] =	ssyncset.done $0x0  }
0x95: {  	s16 =	sld [smem:$0x10];
	[sflag:s15] =	ssyncadd.s32 $0xFFFFFFFF  }
0x96: {  	s17 =	sld [smem:$0x11];
	(tm) =	ssettm $0x1  }
0x97: {  	s18 =	sld [smem:$0x3FFB];
	_ =	sdelay $0x3  }
0x98: {  	_ =	strace s18  }
0x99: {  	s4 =	sld [smem:$0x3FFC];
	_ =	sdelay $0x3  }
0x9a: {  	_ =	strace s4  }
0x9b: {  	s4 =	sld [smem:$0x3FFD];
	_ =	sdelay $0x3  }
0x9c: {  	_ =	strace s4  }
0x9d: {  	_ =	strace $0x8FFFFFFF  }
0x9e: {  	s19 =	sld [smem:$0x3FDB];
	_ =	sdelay $0x1  }
0x9f: {  	s5 =	simm.s32 $_scs_section_size  }
0xa0: {  	s6 =	simm.s32 $_size__tile_overlayer_lowered;
	s7 =	simm.s32 $_tile_overlayer_lowered  }
0xa1: {  	s22 =	simm.s32 $0x1BFF;
	s21 =	sshll.u32 s7, $0x1;
	s4 =	sadd.s32 s5, s19  }
0xa2: {  	s8 =	simm.s32 $0x0;
	s20 =	sshll.u32 s6, $0x1;
	s6 =	sadd.s32 s21, s4  }
0xa3: {  	[timem:s8], [sflag:s22] =	dma.local [hbm:s6], s20  }
0xa4: {  	_ =	swait.ge [sflag:s22], s20  }
0xa5: {  	s5 =	ssub.s32 $0x0, s20;
	[sflag:s22] =	ssyncset.done $0x0  }
0xa6: {  	[sflag:s22] =	ssyncadd.s32 s5;
	_ =	sdelay $0x1  }
0xa7: {  	s23 =	simm.s32 $0x1B8B  }
0xa8: {  	_ =	swait.ge [sflag:s23], $0x1  }
0xa9: {  	[sflag:s23] =	ssyncset.done $0x0  }
0xaa: {  	s25 =	simm.s32 $0x1B8E;
	s24 =	sld [smem:$0x3FFE];
	[sflag:s23] =	ssyncadd.s32 $0xFFFFFFFF  }
0xab: {  	s26 =	simm.s32 $execute0_lowered;
	[smem:$0x3FD2] =	sst s25  }
0xac: {  	s6 =	sshll.u32 s26, $0x1;
	_ =	strace $0x80000046;
	[dreg:$0x1] =	wrdreg $0xFFFFFFFF  }
0xad: {  	s28 =	simm.s32 $_size_execute0_lowered;
	s4 =	sadd.s32 s4, s6;
	[dreg:$0x0] =	wrdreg $0x0  }
0xae: {  	s6 =	sshll.u32 s28, $0x1;
	[dreg:$0x2] =	wrdreg s4  }
0xaf: {  	[dreg:$0x3] =	wrdreg s6  }
0xb0: {  	[dreg:$0x4] =	wrdreg $0xC0  }
0xb1: {  	_ =	task [dreg:s8], $0x5FFFF  }
0xb2: {  	[dreg:$0x1] =	wrdreg $0xFFFFFFFF  }
0xb3: {  	[dreg:$0x0] =	wrdreg $0x60  }
0xb4: {  	[dreg:$0x2] =	wrdreg s24  }
0xb5: {  	[dreg:$0x3] =	wrdreg s16  }
0xb6: {  	[dreg:$0x4] =	wrdreg s17  }
0xb7: {  	[dreg:$0x5] =	wrdreg $0x9  }
0xb8: {  	_ =	task.clear_ibuf [dreg:s8], $0x6FFFF;
	_ =	strace $0x90000046  }
0xb9: {  	s29 =	simm.s32 $0x9;
	_ =	strace $0x80000048  }
0xba: {  	_ =	swait.ge [sflag:s29], $0x1  }
0xbb: {  	[sflag:s29] =	ssyncadd.s32 $0xFFFFFFFF  }
0xbc: {  	_ =	strace $0x90000048  }
0xbd: {  	_ =	sfence  }
0xbe: {  	s30 =	sld [smem:$0x0];
	_ =	sdelay $0x2  }
0xbf: {  	s31 =	sshll.u32 s1, $0xD;
	s1 =	sshrl.u32 s1, $0x2  }
0xc0: {  	s3 =	sand.u32 $0x4000, s31;
	s1 =	sadd.s32 s1, s30  }
0xc1: {  	s0 =	sor.u32 s3, s0;
	s1 =	sshll.u32 s1, $0x11  }
0xc2: {  	s0 =	sor.u32 s1, s0  }
0xc3: {  	s0 =	sadd.s32 $0x8F2B, s0  }
0xc4: {  	[sflag:s0] =	ssyncadd.remote.s32 $0x1  }
0xc5: {  	_ =	sfence.sel $0xFFFF  }
0xc6: {  	[dreg:$0x0] =	wrdreg $0xFFFFFFFF;
	(pc) =	sbr.abs _section_cstart, $3  }
0xc7: {  	[dreg:$0x1] =	wrdreg $0xFFFFFFFF  }
0xc8: {  	_ =	task.clear_ibuf [dreg:s8], $0x2FFFF;
	_ =	strace $0x9FFFFFFF  }
0xc9: {  	(tm) =	ssettm $0x7FFFFFFF  }
tec
execute0_lowered:
.L_overlay_start_1:
0x0: {  	(tag) =	ssettag $0x1  }
0x1: {  	s3 =	rddreg [dreg:$0x0]  }
0x2: {  	s5 =	rddreg [dreg:$0x1]  }
0x3: {  	s7 =	rddreg [dreg:$0x2]  }
0x4: {  	s0 =	rddreg [dreg:$0x3];
	s4 =	srdreg.scid  }
0x5: {  	s2 =	simm.s32 $0x0;
	s1 =	stileid.u32;
	s10 =	simm.s32 $0x40000  }
0x6: {  	s11 =	simm.s32 $0x1;
	s12 =	simm.s32 $0x80;
	s13 =	simm.s32 $0x100  }
0x7: {  	s14 =	simm.s32 $0x10000;
	s15 =	simm.s32 $0x10400;
	s16 =	simm.s32 $0x10800  }
0x8: {  	s17 =	simm.s32 $0x10C00;
	s18 =	simm.s32 $0x0;
	s4 =	sand.u32 $0x1, s4  }
0x9: {  	[smem:$0x7FF] =	sst s2;
	s6 =	sshll.u32 s1, $0xB;
	s8 =	sshll.u32 s4, $0xA  }
0xa: {  	_ =	strace $0x80000047;
	s4 =	ssub.s32 $0x2, s4;
	s6 =	sor.u32 s8, s6  }
0xb: {  	s31 =	sshrl.u32 s4, $0x1;
	s3 =	sadd.s32 s6, s3;
	s6 =	sshrl.u32 s6, $0x2  }
0xc: {  	s8 =	ssub.s32 s4, s31;
	s3 =	sadd.s32 $0xA00, s3;
	s9 =	sor.u32 $0x10, s6  }
0xd: {  	s4 =	sadd.s32 s5, s6;
	s6 =	sadd.s32 s7, s6;
	s8 =	smax.u32 s8, $0x1  }
0xe: {  	v0 =	vimm.f32 $6.400000000e+01;
	v1 =	vimm.f32 $0.0e+00;
	s5 =	sadd.s32 s5, s9;
	s7 =	sadd.s32 s7, s9;
	s9 =	simm.s32 $0x2000  }
.LBB2_1:
0xf: {  	[tilespmem:s2], [sflag:$0x1] =	stream.strided.gather [hbm4b:s3+s9], $0x10000, s10, s9, $0x38;
	[tilespmem:$0x11000] =	vst v63  }
0x10: {  	_ =	swait.ge [sflag:s11], $0x10000  }
0x11: {  	s19 =	sand.u32 $0x70, s2;
	s20 =	sand.u32 $0x1C00, s2;
	[sflag:s11] =	ssyncset.done $0x0  }
0x12: {  	s19 =	sor.u32 s19, s20;
	[sflag:s11] =	ssyncadd.s32 $0xFFFF0000  }
0x13: {  	v2 =	vld [tilespmem:s19+$0x80]  }
0x14: {  	v3 =	vld [tilespmem:s19+$0x0];
	_ =	sdelay $0x1  }
0x15: {  	v4 =	vld [tilespmem:s19+$0x100];
	_ =	sdelay $0x1  }
0x16: {  	vm12 =	vgt.f32 v2, $-1.000000020e+30  }
0x17: {  	v6 =	vld [tilespmem:s19+$0x180];
	vm1 =	vgt.f32 v2, v3;
	v5 =	vnsel vm12, $0xF149F2CA, v2  }
0x18: {  	v5 =	vsel vm1, v3, v5  }
0x19: {  	v2 =	vsel vm1, v2, v3;
	vm13 =	vgt.f32 v4, v5  }
0x1a: {  	v57 =	vld [tilespmem:s19+$0x200];
	vm2 =	vgt.f32 v4, v2;
	v3 =	vsel vm13, v4, v5  }
0x1b: {  	v3 =	vsel vm2, v2, v3  }
0x1c: {  	v2 =	vsel vm2, v4, v2;
	vm14 =	vgt.f32 v6, v3  }
0x1d: {  	v58 =	vld [tilespmem:s19+$0x280];
	vm3 =	vgt.f32 v6, v2;
	v3 =	vsel vm14, v6, v3  }
0x1e: {  	v3 =	vsel vm3, v2, v3  }
0x1f: {  	v2 =	vsel vm3, v6, v2;
	vm15 =	vgt.f32 v57, v3  }
0x20: {  	v60 =	vimm.s32 $0x0;
	v59 =	vld [tilespmem:s19+$0x300];
	vm4 =	vgt.f32 v57, v2;
	v3 =	vsel vm15, v57, v3  }
0x21: {  	v62 =	vimm.s32 $0x0;
	v9 =	vimm.s32 $0x0;
	v3 =	vsel vm4, v2, v3  }
0x22: {  	v11 =	vimm.s32 $0x0;
	v2 =	vsel vm4, v57, v2;
	vm0 =	vgt.f32 v58, v3  }
0x23: {  	v13 =	vimm.s32 $0x0;
	v61 =	vld [tilespmem:s19+$0x380];
	vm5 =	vgt.f32 v58, v2;
	v3 =	vsel vm0, v58, v3  }
0x24: {  	v15 =	vimm.s32 $0x0;
	v17 =	vimm.s32 $0x0;
	v3 =	vsel vm5, v2, v3  }
0x25: {  	v19 =	vimm.s32 $0x0;
	v2 =	vsel vm5, v58, v2;
	vm10 =	vgt.f32 v59, v3  }
0x26: {  	v21 =	vimm.s32 $0x0;
	v63 =	vld [tilespmem:s19+$0x2000];
	vm6 =	vgt.f32 v59, v2;
	v3 =	vsel vm10, v59, v3  }
0x27: {  	v27 =	vimm.s32 $0x0;
	v30 =	vimm.s32 $0x0;
	v3 =	vsel vm6, v2, v3  }
0x28: {  	v33 =	vimm.s32 $0x0;
	v2 =	vsel vm6, v59, v2;
	vm11 =	vgt.f32 v61, v3  }
0x29: {  	v36 =	vimm.s32 $0x0;
	v10 =	vld [tilespmem:s19+$0x2080];
	vm7 =	vgt.f32 v61, v2;
	v3 =	vsel vm11, v61, v3  }
0x2a: {  	v39 =	vimm.s32 $0x0;
	v42 =	vimm.s32 $0x0;
	v3 =	vsel vm7, v2, v3  }
0x2b: {  	v5 =	vsel vm0, $0xFFFFFFFF, v60;
	v2 =	vsel vm7, v61, v2;
	vm0 =	vgt.f32 v63, v3  }
0x2c: {  	v45 =	vimm.s32 $0x0;
	v12 =	vld [tilespmem:s19+$0x2100];
	vm8 =	vgt.f32 v63, v2;
	v3 =	vsel vm0, v63, v3  }
0x2d: {  	v48 =	vimm.s32 $0x0;
	v51 =	vimm.s32 $0x0;
	v3 =	vsel vm8, v2, v3  }
0x2e: {  	v4 =	vsel vm10, $0xFFFFFFFF, v62;
	v2 =	vsel vm8, v63, v2;
	vm9 =	vgt.f32 v10, v3  }
0x2f: {  	v14 =	vld [tilespmem:s19+$0x2180];
	[tilespmem:$0x1FCE0] =	vst v4;
	v4 =	vsel vm9, $0xFFFFFFFF, v13;
	v3 =	vsel vm9, v10, v3;
	vm9 =	vgt.f32 v10, v2  }
0x30: {  	v53 =	vimm.s32 $0x0;
	v20 =	vsel vm12, $0x3F800000, v0;
	v3 =	vsel vm9, v2, v3  }
0x31: {  	v6 =	vsel vm11, $0xFFFFFFFF, v9;
	v2 =	vsel vm9, v10, v2;
	vm10 =	vgt.f32 v12, v3  }
0x32: {  	v16 =	vld [tilespmem:s19+$0x2200];
	[tilespmem:$0x1FCF0] =	vst v6;
	v6 =	vsel vm10, $0xFFFFFFFF, v15;
	v3 =	vsel vm10, v12, v3;
	vm10 =	vgt.f32 v12, v2  }
0x33: {  	v8 =	vsel vm1, $0x3F800000, v1;
	v58 =	vimm.s32 $0x0;
	v3 =	vsel vm10, v2, v3  }
0x34: {  	[tilespmem:$0x1FCD0] =	vst v5;
	v5 =	vsel vm0, $0xFFFFFFFF, v11;
	v2 =	vsel vm10, v12, v2;
	vm11 =	vgt.f32 v14, v3  }
0x35: {  	v18 =	vld [tilespmem:s19+$0x2280];
	[tilespmem:$0x1FD00] =	vst v5;
	v5 =	vsel vm11, $0xFFFFFFFF, v17;
	v3 =	vsel vm11, v14, v3;
	vm11 =	vgt.f32 v14, v2  }
0x36: {  	v61 =	vimm.s32 $0x0;
	v15 =	vimm.s32 $0x0;
	v3 =	vsel vm11, v2, v3  }
0x37: {  	v9 =	vld [tilespmem:$0x1FCE0];
	v12 =	vimm.s32 $0x0;
	v2 =	vsel vm11, v14, v2;
	vm0 =	vgt.f32 v16, v3  }
0x38: {  	v7 =	vld [tilespmem:s19+$0x2300];
	[tilespmem:$0x1FD10] =	vst v4;
	vm12 =	vgt.f32 v16, v2;
	v4 =	vsel vm0, $0xFFFFFFFF, v19;
	v3 =	vsel vm0, v16, v3  }
0x39: {  	[tilespmem:$0x1FD40] =	vst v4;
	v4 =	vsel vm1, $0x0, v20;
	v3 =	vsel vm12, v2, v3;
	v2 =	vsel vm12, v16, v2  }
0x3a: {  	vm0 =	vgt.f32 v18, v3;
	v4 =	vsel vm13, $0x40000000, v4;
	vm1 =	vgt.f32 v18, v2  }
0x3b: {  	v22 =	vld [tilespmem:s19+$0x2380];
	[tilespmem:$0x1FD20] =	vst v6;
	v6 =	vsel vm0, $0xFFFFFFFF, v21;
	v3 =	vsel vm0, v18, v3;
	v4 =	vsel vm2, v8, v4  }
0x3c: {  	v8 =	vsel vm2, $0x40000000, v8;
	vm0 =	vnez.u8 v9;
	v3 =	vsel vm1, v2, v3  }
0x3d: {  	v23 =	vld [tilespmem:s19+$0x4000];
	v21 =	vimm.s32 $0x0;
	v2 =	vsel vm1, v18, v2;
	vm13 =	vgt.f32 v7, v3  }
0x3e: {  	v25 =	vld [tilespmem:$0x1FCD0];
	v4 =	vsel vm14, $0x40400000, v4;
	vm2 =	vgt.f32 v7, v2;
	v3 =	vsel vm13, v7, v3  }
0x3f: {  	v18 =	vimm.s32 $0x0;
	v4 =	vsel vm3, v8, v4;
	v3 =	vsel vm2, v2, v3  }
0x40: {  	v8 =	vsel vm3, $0x40400000, v8;
	v2 =	vsel vm2, v7, v2;
	vm14 =	vgt.f32 v22, v3  }
0x41: {  	v24 =	vld [tilespmem:s19+$0x4080];
	v4 =	vsel vm15, $0x40800000, v4;
	vm3 =	vgt.f32 v22, v2;
	v3 =	vsel vm14, v22, v3  }
0x42: {  	v4 =	vsel vm4, v8, v4;
	v8 =	vsel vm4, $0x40800000, v8;
	v3 =	vsel vm3, v2, v3  }
0x43: {  	vm4 =	vnez.u8 v25;
	v2 =	vsel vm3, v22, v2;
	vm15 =	vgt.f32 v23, v3  }
0x44: {  	v31 =	vld [tilespmem:$0x1FCF0];
	v4 =	vsel vm4, $0x40A00000, v4;
	vm4 =	vgt.f32 v23, v2;
	v3 =	vsel vm15, v23, v3  }
0x45: {  	v26 =	vld [tilespmem:s19+$0x4100];
	v28 =	vsel vm5, $0x40A00000, v8;
	v4 =	vsel vm5, v8, v4;
	v3 =	vsel vm4, v2, v3  }
0x46: {  	v4 =	vsel vm0, $0x40C00000, v4;
	v2 =	vsel vm4, v23, v2;
	vm0 =	vgt.f32 v24, v3  }
0x47: {  	v34 =	vld [tilespmem:$0x1FD00];
	v4 =	vsel vm6, v28, v4;
	vm5 =	vgt.f32 v24, v2;
	v3 =	vsel vm0, v24, v3  }
0x48: {  	[tilespmem:$0x1FD30] =	vst v5;
	v5 =	vsel vm0, $0xFFFFFFFF, v27;
	v27 =	vimm.s32 $0x0;
	v3 =	vsel vm5, v2, v3  }
0x49: {  	v29 =	vld [tilespmem:s19+$0x4180];
	[tilespmem:$0x1FD60] =	vst v5;
	v5 =	vsel vm6, $0x40C00000, v28;
	v2 =	vsel vm5, v24, v2;
	vm6 =	vnez.u8 v31  }
0x4a: {  	v37 =	vld [tilespmem:$0x1FD10];
	v24 =	vimm.s32 $0x0;
	vm0 =	vgt.f32 v26, v3;
	v4 =	vsel vm6, $0x40E00000, v4  }
0x4b: {  	vm6 =	vgt.f32 v26, v2;
	v7 =	vsel vm0, $0xFFFFFFFF, v30;
	v3 =	vsel vm0, v26, v3  }
0x4c: {  	v4 =	vsel vm7, v5, v4;
	v5 =	vsel vm7, $0x40E00000, v5;
	vm7 =	vnez.u8 v34  }
0x4d: {  	v32 =	vld [tilespmem:s19+$0x4200];
	v30 =	vimm.s32 $0x0;
	v3 =	vsel vm6, v2, v3;
	v2 =	vsel vm6, v26, v2  }
0x4e: {  	v40 =	vld [tilespmem:$0x1FD20];
	v4 =	vsel vm7, $0x41000000, v4;
	vm0 =	vgt.f32 v29, v3;
	vm7 =	vgt.f32 v29, v2  }
0x4f: {  	v4 =	vsel vm8, v5, v4;
	v5 =	vsel vm8, $0x41000000, v5;
	vm8 =	vnez.u8 v37  }
0x50: {  	[tilespmem:$0x1FD50] =	vst v6;
	v37 =	vimm.s32 $0x0;
	v6 =	vsel vm0, $0xFFFFFFFF, v33;
	v3 =	vsel vm0, v29, v3  }
0x51: {  	v43 =	vld [tilespmem:$0x1FD30];
	v4 =	vsel vm8, $0x41100000, v4;
	v33 =	vimm.s32 $0x0;
	v3 =	vsel vm7, v2, v3  }
0x52: {  	v35 =	vld [tilespmem:s19+$0x4280];
	v2 =	vsel vm7, v29, v2;
	v4 =	vsel vm9, v5, v4;
	v5 =	vsel vm9, $0x41100000, v5  }
0x53: {  	vm9 =	vnez.u8 v40;
	v40 =	vimm.s32 $0x0;
	vm0 =	vgt.f32 v32, v3  }
0x54: {  	v46 =	vld [tilespmem:$0x1FD40];
	vm8 =	vgt.f32 v32, v2;
	v4 =	vsel vm9, $0x41200000, v4;
	v8 =	vsel vm0, $0xFFFFFFFF, v36  }
0x55: {  	v3 =	vsel vm0, v32, v3;
	v4 =	vsel vm10, v5, v4;
	v5 =	vsel vm10, $0x41200000, v5  }
0x56: {  	v38 =	vld [tilespmem:s19+$0x4300];
	vm10 =	vnez.u8 v43;
	v43 =	vimm.s32 $0x0;
	v3 =	vsel vm8, v2, v3  }
0x57: {  	v49 =	vld [tilespmem:$0x1FD50];
	v2 =	vsel vm8, v32, v2;
	v4 =	vsel vm10, $0x41300000, v4;
	vm0 =	vgt.f32 v35, v3  }
0x58: {  	vm9 =	vgt.f32 v35, v2;
	v4 =	vsel vm11, v5, v4;
	v5 =	vsel vm11, $0x41300000, v5  }
0x59: {  	v41 =	vld [tilespmem:s19+$0x4380];
	[tilespmem:$0x1FD70] =	vst v7;
	vm11 =	vnez.u8 v46;
	v7 =	vsel vm0, $0xFFFFFFFF, v39;
	v3 =	vsel vm0, v35, v3  }
0x5a: {  	v4 =	vsel vm11, $0x41400000, v4;
	v3 =	vsel vm9, v2, v3;
	v2 =	vsel vm9, v35, v2  }
0x5b: {  	v4 =	vsel vm12, v5, v4;
	v5 =	vsel vm12, $0x41400000, v5;
	vm0 =	vgt.f32 v38, v3  }
0x5c: {  	v44 =	vld [tilespmem:s19+$0x6000];
	vm12 =	vnez.u8 v49;
	vm10 =	vgt.f32 v38, v2;
	v3 =	vsel vm0, v38, v3  }
0x5d: {  	v35 =	vimm.s32 $0x0;
	v4 =	vsel vm12, $0x41500000, v4;
	v3 =	vsel vm10, v2, v3  }
0x5e: {  	[tilespmem:$0x1FD80] =	vst v6;
	v6 =	vsel vm0, $0xFFFFFFFF, v42;
	v2 =	vsel vm10, v38, v2;
	vm0 =	vgt.f32 v41, v3  }
0x5f: {  	v47 =	vld [tilespmem:s19+$0x6080];
	v4 =	vsel vm1, v5, v4;
	vm11 =	vgt.f32 v41, v2;
	v3 =	vsel vm0, v41, v3  }
0x60: {  	v5 =	vsel vm1, $0x41500000, v5;
	v4 =	vsel vm13, $0x41600000, v4;
	v3 =	vsel vm11, v2, v3  }
0x61: {  	[tilespmem:$0x1FD90] =	vst v8;
	v8 =	vsel vm0, $0xFFFFFFFF, v45;
	v2 =	vsel vm11, v41, v2;
	vm0 =	vgt.f32 v44, v3  }
0x62: {  	v50 =	vld [tilespmem:s19+$0x6100];
	v4 =	vsel vm2, v5, v4;
	vm12 =	vgt.f32 v44, v2;
	v3 =	vsel vm0, v44, v3  }
0x63: {  	v5 =	vsel vm2, $0x41600000, v5;
	v4 =	vsel vm14, $0x41700000, v4;
	v3 =	vsel vm12, v2, v3  }
0x64: {  	[tilespmem:$0x1FDA0] =	vst v7;
	v7 =	vsel vm0, $0xFFFFFFFF, v48;
	v2 =	vsel vm12, v44, v2;
	vm0 =	vgt.f32 v47, v3  }
0x65: {  	v52 =	vld [tilespmem:s19+$0x6180];
	v4 =	vsel vm3, v5, v4;
	vm13 =	vgt.f32 v47, v2;
	v3 =	vsel vm0, v47, v3  }
0x66: {  	v5 =	vsel vm3, $0x41700000, v5;
	v4 =	vsel vm15, $0x41800000, v4;
	v3 =	vsel vm13, v2, v3  }
0x67: {  	v56 =	vld [tilespmem:$0x1FD60];
	[tilespmem:$0x1FDB0] =	vst v6;
	v6 =	vsel vm0, $0xFFFFFFFF, v51;
	v2 =	vsel vm13, v47, v2;
	vm0 =	vgt.f32 v50, v3  }
0x68: {  	v54 =	vld [tilespmem:s19+$0x6200];
	v4 =	vsel vm4, v5, v4;
	vm2 =	vgt.f32 v50, v2;
	v3 =	vsel vm0, v50, v3  }
0x69: {  	v59 =	vld [tilespmem:$0x1FD70];
	v5 =	vsel vm4, $0x41800000, v5;
	v51 =	vimm.s32 $0x0;
	v3 =	vsel vm2, v2, v3  }
0x6a: {  	[tilespmem:$0x1FDC0] =	vst v8;
	v8 =	vsel vm0, $0xFFFFFFFF, v53;
	v2 =	vsel vm2, v50, v2;
	vm14 =	vgt.f32 v52, v3  }
0x6b: {  	v62 =	vld [tilespmem:$0x1FD80];
	v53 =	vimm.s32 $0x0;
	vm0 =	vgt.f32 v52, v2;
	v3 =	vsel vm14, v52, v3  }
0x6c: {  	v55 =	vld [tilespmem:s19+$0x6280];
	vm15 =	vmmov vm14;
	vm14 =	vnez.u8 v56;
	v56 =	vimm.s32 $0x0  }
0x6d: {  	v13 =	vld [tilespmem:$0x1FD90];
	v3 =	vsel vm0, v2, v3;
	v2 =	vsel vm0, v52, v2;
	v4 =	vsel vm14, $0x41880000, v4  }
0x6e: {  	vm14 =	vnez.u8 v59;
	vm1 =	vgt.f32 v54, v3;
	vm3 =	vgt.f32 v54, v2  }
0x6f: {  	v4 =	vsel vm5, v5, v4;
	v5 =	vsel vm5, $0x41880000, v5;
	v3 =	vsel vm1, v54, v3  }
0x70: {  	v57 =	vld [tilespmem:s19+$0x6300];
	v4 =	vsel vm14, $0x41900000, v4;
	vm14 =	vnez.u8 v62;
	v3 =	vsel vm3, v2, v3  }
0x71: {  	v16 =	vld [tilespmem:$0x1FDA0];
	v2 =	vsel vm3, v54, v2;
	v4 =	vsel vm6, v5, v4;
	v5 =	vsel vm6, $0x41900000, v5  }
0x72: {  	vm4 =	vgt.f32 v55, v3;
	v4 =	vsel vm14, $0x41980000, v4;
	vm14 =	vnez.u8 v13  }
0x73: {  	[tilespmem:$0x1FDF0] =	vst v8;
	v13 =	vimm.s32 $0x0;
	v8 =	vsel vm4, $0xFFFFFFFF, v58;
	v3 =	vsel vm4, v55, v3  }
0x74: {  	v19 =	vld [tilespmem:$0x1FDB0];
	vm4 =	vgt.f32 v55, v2;
	v4 =	vsel vm7, v5, v4;
	v5 =	vsel vm7, $0x41980000, v5  }
0x75: {  	v3 =	vsel vm4, v2, v3;
	v2 =	vsel vm4, v55, v2;
	v4 =	vsel vm14, $0x41A00000, v4  }
0x76: {  	v60 =	vld [tilespmem:s19+$0x6380];
	vm14 =	vnez.u8 v16;
	v16 =	vimm.s32 $0x0;
	vm5 =	vgt.f32 v57, v3  }
0x77: {  	[tilespmem:$0x1FDD0] =	vst v7;
	v4 =	vsel vm8, v5, v4;
	v5 =	vsel vm8, $0x41A00000, v5;
	v7 =	vsel vm5, $0xFFFFFFFF, v61  }
0x78: {  	v3 =	vsel vm5, v57, v3;
	vm5 =	vgt.f32 v57, v2;
	v4 =	vsel vm14, $0x41A80000, v4  }
0x79: {  	v63 =	vld [tilespmem:s19+$0x8000];
	vm14 =	vnez.u8 v19;
	v61 =	vimm.s32 $0x0;
	v19 =	vimm.s32 $0x0  }
0x7a: {  	v3 =	vsel vm5, v2, v3;
	v2 =	vsel vm5, v57, v2;
	v4 =	vsel vm9, v5, v4  }
0x7b: {  	v25 =	vld [tilespmem:$0x1FDD0];
	v5 =	vsel vm9, $0x41A80000, v5;
	vm6 =	vgt.f32 v60, v3;
	v4 =	vsel vm14, $0x41B00000, v4  }
0x7c: {  	v14 =	vld [tilespmem:s19+$0x8080];
	[tilespmem:$0x1FDE0] =	vst v6;
	v6 =	vsel vm6, $0xFFFFFFFF, v12;
	v3 =	vsel vm6, v60, v3;
	vm6 =	vgt.f32 v60, v2  }
0x7d: {  	v57 =	vimm.s32 $0x0;
	v4 =	vsel vm10, v5, v4;
	v3 =	vsel vm6, v2, v3  }
0x7e: {  	v22 =	vld [tilespmem:$0x1FDC0];
	v5 =	vsel vm10, $0x41B00000, v5;
	v2 =	vsel vm6, v60, v2;
	vm7 =	vgt.f32 v63, v3  }
0x7f: {  	[tilespmem:$0x1FE00] =	vst v8;
	v8 =	vsel vm7, $0xFFFFFFFF, v15;
	v3 =	vsel vm7, v63, v3;
	vm7 =	vgt.f32 v63, v2  }
0x80: {  	v17 =	vld [tilespmem:s19+$0x8100];
	vm10 =	vnez.u8 v25;
	v12 =	vimm.s32 $0x0;
	v3 =	vsel vm7, v2, v3  }
0x81: {  	v25 =	vimm.s32 $0x0;
	v2 =	vsel vm7, v63, v2;
	vm8 =	vgt.f32 v14, v3  }
0x82: {  	[tilespmem:$0x1FE10] =	vst v7;
	v60 =	vimm.s32 $0x0;
	vm14 =	vgt.f32 v14, v2;
	v7 =	vsel vm8, $0xFFFFFFFF, v18  }
0x83: {  	v28 =	vld [tilespmem:$0x1FDE0];
	v3 =	vsel vm8, v14, v3;
	vm8 =	vnez.u8 v22;
	v22 =	vimm.s32 $0x0  }
0x84: {  	v20 =	vld [tilespmem:s19+$0x8180];
	v3 =	vsel vm14, v2, v3;
	v2 =	vsel vm14, v14, v2;
	v4 =	vsel vm8, $0x41B80000, v4  }
0x85: {  	v31 =	vld [tilespmem:$0x1FDF0];
	vm9 =	vgt.f32 v17, v3;
	vm8 =	vgt.f32 v17, v2;
	v4 =	vsel vm11, v5, v4  }
0x86: {  	[tilespmem:$0x1FE20] =	vst v6;
	v5 =	vsel vm11, $0x41B80000, v5;
	v6 =	vsel vm9, $0xFFFFFFFF, v21;
	v3 =	vsel vm9, v17, v3  }
0x87: {  	v4 =	vsel vm10, $0x41C00000, v4;
	v3 =	vsel vm8, v2, v3;
	v2 =	vsel vm8, v17, v2  }
0x88: {  	v23 =	vld [tilespmem:s19+$0x8200];
	v4 =	vsel vm12, v5, v4;
	v5 =	vsel vm12, $0x41C00000, v5;
	vm12 =	vnez.u8 v28  }
0x89: {  	v28 =	vimm.s32 $0x0;
	vm9 =	vgt.f32 v20, v3;
	v4 =	vsel vm12, $0x41C80000, v4  }
0x8a: {  	v38 =	vld [tilespmem:$0x1FE00];
	[tilespmem:$0x1FE30] =	vst v8;
	vm12 =	vnez.u8 v31;
	v8 =	vsel vm9, $0xFFFFFFFF, v24;
	v3 =	vsel vm9, v20, v3  }
0x8b: {  	v26 =	vld [tilespmem:s19+$0x8280];
	vm9 =	vgt.f32 v20, v2;
	v4 =	vsel vm13, v5, v4;
	v5 =	vsel vm13, $0x41C80000, v5  }
0x8c: {  	v3 =	vsel vm9, v2, v3;
	v2 =	vsel vm9, v20, v2;
	v4 =	vsel vm12, $0x41D00000, v4  }
0x8d: {  	vm10 =	vgt.f32 v23, v3;
	v4 =	vsel vm2, v5, v4;
	v5 =	vsel vm2, $0x41D00000, v5  }
0x8e: {  	v29 =	vld [tilespmem:s19+$0x8300];
	[tilespmem:$0x1FE40] =	vst v7;
	v7 =	vsel vm10, $0xFFFFFFFF, v27;
	v3 =	vsel vm10, v23, v3;
	vm10 =	vgt.f32 v23, v2  }
0x8f: {  	v4 =	vsel vm15, $0x41D80000, v4;
	vm15 =	vnez.u8 v38;
	v3 =	vsel vm10, v2, v3  }
0x90: {  	v2 =	vsel vm10, v23, v2;
	v4 =	vsel vm0, v5, v4;
	vm11 =	vgt.f32 v26, v3  }
0x91: {  	v32 =	vld [tilespmem:s19+$0x8380];
	[tilespmem:$0x1FE50] =	vst v6;
	v6 =	vsel vm11, $0xFFFFFFFF, v30;
	v3 =	vsel vm11, v26, v3;
	vm11 =	vgt.f32 v26, v2  }
0x92: {  	v5 =	vsel vm0, $0x41D80000, v5;
	v4 =	vsel vm1, $0x41E00000, v4;
	v3 =	vsel vm11, v2, v3  }
0x93: {  	v4 =	vsel vm3, v5, v4;
	v2 =	vsel vm11, v26, v2;
	vm13 =	vgt.f32 v29, v3  }
0x94: {  	v34 =	vld [tilespmem:s19+$0xA000];
	v5 =	vsel vm3, $0x41E00000, v5;
	vm2 =	vgt.f32 v29, v2;
	v3 =	vsel vm13, v29, v3  }
0x95: {  	v30 =	vimm.s32 $0x0;
	v4 =	vsel vm15, $0x41E80000, v4;
	v3 =	vsel vm2, v2, v3  }
0x96: {  	v41 =	vld [tilespmem:$0x1FE10];
	v4 =	vsel vm4, v5, v4;
	v2 =	vsel vm2, v29, v2;
	vm12 =	vgt.f32 v32, v3  }
0x97: {  	v44 =	vld [tilespmem:$0x1FE20];
	[tilespmem:$0x1FE70] =	vst v7;
	v7 =	vsel vm12, $0xFFFFFFFF, v35;
	v3 =	vsel vm12, v32, v3;
	vm12 =	vgt.f32 v32, v2  }
0x98: {  	v36 =	vld [tilespmem:s19+$0xA080];
	[tilespmem:$0x1FE60] =	vst v8;
	v5 =	vsel vm4, $0x41E80000, v5;
	v8 =	vsel vm13, $0xFFFFFFFF, v33;
	v3 =	vsel vm12, v2, v3  }
0x99: {  	v35 =	vimm.s32 $0x0;
	v2 =	vsel vm12, v32, v2;
	vm13 =	vgt.f32 v34, v3  }
0x9a: {  	v48 =	vld [tilespmem:$0x1FE40];
	v32 =	vimm.s32 $0x0;
	vm3 =	vgt.f32 v34, v2;
	v3 =	vsel vm13, v34, v3  }
0x9b: {  	v39 =	vld [tilespmem:s19+$0xA100];
	[tilespmem:$0x1FE80] =	vst v6;
	v6 =	vsel vm13, $0xFFFFFFFF, v37;
	vm13 =	vnez.u8 v41;
	v3 =	vsel vm3, v2, v3  }
0x9c: {  	v2 =	vsel vm3, v34, v2;
	v4 =	vsel vm13, $0x41F00000, v4;
	vm13 =	vnez.u8 v44  }
0x9d: {  	v46 =	vld [tilespmem:$0x1FE30];
	vm4 =	vgt.f32 v36, v3;
	vm0 =	vgt.f32 v36, v2;
	v4 =	vsel vm5, v5, v4  }
0x9e: {  	[tilespmem:$0x1FE90] =	vst v8;
	v5 =	vsel vm5, $0x41F00000, v5;
	v8 =	vsel vm4, $0xFFFFFFFF, v40;
	v3 =	vsel vm4, v36, v3  }
0x9f: {  	v42 =	vld [tilespmem:s19+$0xA180];
	v4 =	vsel vm13, $0x41F80000, v4;
	vm13 =	vnez.u8 v48;
	v3 =	vsel vm0, v2, v3  }
0xa0: {  	v2 =	vsel vm0, v36, v2;
	v4 =	vsel vm6, v5, v4;
	vm15 =	vgt.f32 v39, v3  }
0xa1: {  	v50 =	vld [tilespmem:$0x1FE50];
	[tilespmem:$0x1FEA0] =	vst v7;
	v5 =	vsel vm6, $0x41F80000, v5;
	vm1 =	vgt.f32 v39, v2;
	v7 =	vsel vm15, $0xFFFFFFFF, v43  }
0xa2: {  	v45 =	vld [tilespmem:s19+$0xA200];
	v3 =	vsel vm15, v39, v3;
	vm15 =	vnez.u8 v46;
	v43 =	vimm.s32 $0x0  }
0xa3: {  	v54 =	vld [tilespmem:$0x1FE60];
	v3 =	vsel vm1, v2, v3;
	v2 =	vsel vm1, v39, v2;
	v4 =	vsel vm15, $0x42000000, v4  }
0xa4: {  	v39 =	vimm.s32 $0x0;
	vm6 =	vgt.f32 v42, v3;
	vm15 =	vgt.f32 v42, v2  }
0xa5: {  	v47 =	vld [tilespmem:s19+$0xA280];
	v4 =	vsel vm7, v5, v4;
	v5 =	vsel vm7, $0x42000000, v5;
	v3 =	vsel vm6, v42, v3  }
0xa6: {  	v58 =	vld [tilespmem:$0x1FE70];
	v4 =	vsel vm13, $0x42040000, v4;
	vm13 =	vnez.u8 v50;
	v3 =	vsel vm15, v2, v3  }
0xa7: {  	v2 =	vsel vm15, v42, v2;
	v4 =	vsel vm14, v5, v4;
	v5 =	vsel vm14, $0x42040000, v5  }
0xa8: {  	vm14 =	vnez.u8 v54;
	vm7 =	vgt.f32 v45, v3;
	v4 =	vsel vm13, $0x42080000, v4  }
0xa9: {  	v62 =	vld [tilespmem:$0x1FE80];
	vm5 =	vgt.f32 v45, v2;
	v3 =	vsel vm7, v45, v3;
	v4 =	vsel vm8, v5, v4  }
0xaa: {  	v49 =	vld [tilespmem:s19+$0xA300];
	v5 =	vsel vm8, $0x42080000, v5;
	v3 =	vsel vm5, v2, v3;
	v2 =	vsel vm5, v45, v2  }
0xab: {  	v4 =	vsel vm14, $0x420C0000, v4;
	vm14 =	vnez.u8 v58;
	vm13 =	vgt.f32 v47, v3  }
0xac: {  	[tilespmem:$0x1FED0] =	vst v7;
	v4 =	vsel vm9, v5, v4;
	v5 =	vsel vm9, $0x420C0000, v5;
	v7 =	vsel vm13, $0xFFFFFFFF, v51  }
0xad: {  	v52 =	vld [tilespmem:s19+$0xA380];
	v3 =	vsel vm13, v47, v3;
	vm13 =	vgt.f32 v47, v2;
	v4 =	vsel vm14, $0x42100000, v4  }
0xae: {  	vm14 =	vnez.u8 v62;
	v3 =	vsel vm13, v2, v3;
	v2 =	vsel vm13, v47, v2  }
0xaf: {  	v4 =	vsel vm10, v5, v4;
	v5 =	vsel vm10, $0x42100000, v5;
	vm4 =	vgt.f32 v49, v3  }
0xb0: {  	v55 =	vld [tilespmem:s19+$0xC000];
	[tilespmem:$0x1FEC0] =	vst v8;
	vm8 =	vgt.f32 v49, v2;
	v4 =	vsel vm14, $0x42140000, v4;
	v3 =	vsel vm4, v49, v3  }
0xb1: {  	[tilespmem:$0x1FEB0] =	vst v6;
	v23 =	vld [tilespmem:$0x1FEC0];
	v6 =	vsel vm4, $0xFFFFFFFF, v53;
	v9 =	vsel vm8, $0xFFFFFFFF, v56;
	v3 =	vsel vm8, v2, v3  }
0xb2: {  	v14 =	vld [tilespmem:$0x1FE90];
	v4 =	vsel vm11, v5, v4;
	v2 =	vsel vm8, v49, v2;
	vm4 =	vgt.f32 v52, v3  }
0xb3: {  	v59 =	vld [tilespmem:s19+$0xC080];
	v5 =	vsel vm11, $0x42140000, v5;
	vm9 =	vgt.f32 v52, v2;
	v3 =	vsel vm4, v52, v3  }
0xb4: {  	v8 =	vsel vm4, $0xFFFFFFFF, v57;
	v3 =	vsel vm9, v2, v3;
	v2 =	vsel vm9, v52, v2  }
0xb5: {  	[tilespmem:$0x1FF00] =	vst v9;
	v9 =	vsel vm9, $0xFFFFFFFF, v60;
	vm4 =	vgt.f32 v55, v3;
	vm10 =	vgt.f32 v55, v2  }
0xb6: {  	v17 =	vld [tilespmem:$0x1FEA0];
	[tilespmem:$0x1FF20] =	vst v9;
	vm9 =	vnez.u8 v23;
	v3 =	vsel vm4, v55, v3;
	v9 =	vsel vm10, $0xFFFFFFFF, v12  }
0xb7: {  	v63 =	vld [tilespmem:s19+$0xC100];
	v3 =	vsel vm10, v2, v3;
	v2 =	vsel vm10, v55, v2;
	vm10 =	vnez.u8 v14  }
0xb8: {  	v20 =	vld [tilespmem:$0x1FEB0];
	[tilespmem:$0x1FEE0] =	vst v7;
	v7 =	vsel vm4, $0xFFFFFFFF, v61;
	vm14 =	vgt.f32 v59, v3;
	v4 =	vsel vm10, $0x42180000, v4  }
0xb9: {  	[tilespmem:$0x1FEF0] =	vst v6;
	vm11 =	vgt.f32 v59, v2;
	v6 =	vsel vm14, $0xFFFFFFFF, v13;
	v3 =	vsel vm14, v59, v3  }
0xba: {  	v4 =	vsel vm2, v5, v4;
	v5 =	vsel vm2, $0x42180000, v5;
	vm2 =	vmmov vm11  }
0xbb: {  	v15 =	vld [tilespmem:s19+$0xC180];
	vm14 =	vnez.u8 v17;
	v3 =	vsel vm11, v2, v3;
	v2 =	vsel vm11, v59, v2  }
0xbc: {  	v4 =	vsel vm14, $0x421C0000, v4;
	vm4 =	vgt.f32 v63, v3;
	vm14 =	vgt.f32 v63, v2  }
0xbd: {  	v4 =	vsel vm12, v5, v4;
	v5 =	vsel vm12, $0x421C0000, v5;
	vm12 =	vnez.u8 v20  }
0xbe: {  	v18 =	vld [tilespmem:s19+$0xC200];
	[tilespmem:$0x1FF10] =	vst v8;
	v8 =	vsel vm4, $0xFFFFFFFF, v16;
	v3 =	vsel vm4, v63, v3;
	v4 =	vsel vm12, $0x42200000, v4  }
0xbf: {  	v26 =	vld [tilespmem:$0x1FED0];
	[tilespmem:$0x1FF40] =	vst v9;
	v3 =	vsel vm14, v2, v3;
	v2 =	vsel vm14, v63, v2;
	v4 =	vsel vm3, v5, v4  }
0xc0: {  	v46 =	vld [tilespmem:$0x1FF40];
	v5 =	vsel vm3, $0x42200000, v5;
	vm4 =	vgt.f32 v15, v3;
	vm11 =	vgt.f32 v15, v2  }
0xc1: {  	v21 =	vld [tilespmem:s19+$0xC280];
	[tilespmem:$0x1FF30] =	vst v7;
	v4 =	vsel vm9, $0x42240000, v4;
	v7 =	vsel vm4, $0xFFFFFFFF, v19;
	v3 =	vsel vm4, v15, v3  }
0xc2: {  	v4 =	vsel vm0, v5, v4;
	v3 =	vsel vm11, v2, v3;
	v2 =	vsel vm11, v15, v2  }
0xc3: {  	v5 =	vsel vm0, $0x42240000, v5;
	vm8 =	vgt.f32 v18, v3;
	vm12 =	vgt.f32 v18, v2  }
0xc4: {  	v24 =	vld [tilespmem:s19+$0xC300];
	[tilespmem:$0x1FF50] =	vst v6;
	v6 =	vsel vm8, $0xFFFFFFFF, v22;
	v3 =	vsel vm8, v18, v3;
	vm8 =	vnez.u8 v26  }
0xc5: {  	v36 =	vld [tilespmem:$0x1FEF0];
	vm0 =	vnez.u8 v46;
	v3 =	vsel vm12, v2, v3;
	v4 =	vsel vm8, $0x42280000, v4  }
0xc6: {  	v33 =	vld [tilespmem:$0x1FEE0];
	v2 =	vsel vm12, v18, v2;
	vm10 =	vgt.f32 v21, v3;
	v4 =	vsel vm1, v5, v4  }
0xc7: {  	[tilespmem:$0x1FF60] =	vst v8;
	v8 =	vsel vm10, $0xFFFFFFFF, v25;
	v3 =	vsel vm10, v21, v3;
	vm10 =	vgt.f32 v21, v2  }
0xc8: {  	v5 =	vsel vm1, $0x42280000, v5;
	v4 =	vsel vm6, $0x422C0000, v4;
	v3 =	vsel vm10, v2, v3  }
0xc9: {  	v27 =	vld [tilespmem:s19+$0xC380];
	v2 =	vsel vm10, v21, v2;
	v4 =	vsel vm15, v5, v4;
	v5 =	vsel vm15, $0x422C0000, v5  }
0xca: {  	v29 =	vld [tilespmem:s19+$0xE000];
	vm15 =	vnez.u8 v36;
	vm9 =	vgt.f32 v24, v3;
	v4 =	vsel vm7, $0x42300000, v4  }
0xcb: {  	v38 =	vld [tilespmem:$0x1FF00];
	[tilespmem:$0x1FF70] =	vst v7;
	vm7 =	vnez.u8 v33;
	v7 =	vsel vm9, $0xFFFFFFFF, v28;
	v3 =	vsel vm9, v24, v3  }
0xcc: {  	v42 =	vld [tilespmem:$0x1FF20];
	vm9 =	vgt.f32 v24, v2;
	v4 =	vsel vm5, v5, v4;
	v5 =	vsel vm5, $0x42300000, v5  }
0xcd: {  	v3 =	vsel vm9, v2, v3;
	v2 =	vsel vm9, v24, v2;
	v4 =	vsel vm7, $0x42340000, v4  }
0xce: {  	vm4 =	vgt.f32 v27, v3;
	vm8 =	vgt.f32 v27, v2;
	v4 =	vsel vm13, v5, v4  }
0xcf: {  	v31 =	vld [tilespmem:s19+$0xE080];
	[tilespmem:$0x1FF80] =	vst v6;
	v5 =	vsel vm13, $0x42340000, v5;
	v6 =	vsel vm4, $0xFFFFFFFF, v30;
	v3 =	vsel vm4, v27, v3  }
0xd0: {  	v40 =	vld [tilespmem:$0x1FF10];
	v4 =	vsel vm15, $0x42380000, v4;
	vm4 =	vnez.u8 v38;
	v3 =	vsel vm8, v2, v3  }
0xd1: {  	v34 =	vld [tilespmem:s19+$0xE100];
	vm15 =	vnez.u8 v42;
	v2 =	vsel vm8, v27, v2;
	vm6 =	vgt.f32 v29, v3  }
0xd2: {  	v44 =	vld [tilespmem:$0x1FF30];
	v4 =	vsel vm4, v5, v4;
	vm7 =	vgt.f32 v29, v2;
	v3 =	vsel vm6, v29, v3  }
0xd3: {  	v47 =	vld [tilespmem:$0x1FF50];
	v5 =	vsel vm4, $0x42380000, v5;
	v3 =	vsel vm7, v2, v3;
	v2 =	vsel vm7, v29, v2  }
0xd4: {  	[tilespmem:$0x1FF90] =	vst v8;
	v8 =	vsel vm6, $0xFFFFFFFF, v32;
	vm13 =	vgt.f32 v31, v3;
	vm6 =	vgt.f32 v31, v2  }
0xd5: {  	[tilespmem:$0x1FFA0] =	vst v7;
	v7 =	vsel vm13, $0xFFFFFFFF, v35;
	v3 =	vsel vm13, v31, v3;
	vm13 =	vnez.u8 v40  }
0xd6: {  	v37 =	vld [tilespmem:s19+$0xE180];
	v3 =	vsel vm6, v2, v3;
	v2 =	vsel vm6, v31, v2;
	v4 =	vsel vm13, $0x423C0000, v4  }
0xd7: {  	vm13 =	vnez.u8 v44;
	vm5 =	vgt.f32 v34, v3;
	v4 =	vsel vm15, v5, v4  }
0xd8: {  	v49 =	vld [tilespmem:$0x1FF60];
	[tilespmem:$0x1FFB0] =	vst v6;
	v5 =	vsel vm15, $0x423C0000, v5;
	vm15 =	vnez.u8 v47;
	v6 =	vsel vm5, $0xFFFFFFFF, v39  }
0xd9: {  	v41 =	vld [tilespmem:s19+$0xE200];
	v3 =	vsel vm5, v34, v3;
	vm5 =	vgt.f32 v34, v2;
	v4 =	vsel vm13, $0x42400000, v4  }
0xda: {  	v3 =	vsel vm5, v2, v3;
	v2 =	vsel vm5, v34, v2;
	v4 =	vsel vm0, v5, v4  }
0xdb: {  	v51 =	vld [tilespmem:$0x1FF70];
	v5 =	vsel vm0, $0x42400000, v5;
	vm4 =	vgt.f32 v37, v3;
	v4 =	vsel vm15, $0x42440000, v4  }
0xdc: {  	v45 =	vld [tilespmem:s19+$0xE280];
	[tilespmem:$0x1FFC0] =	vst v8;
	v8 =	vsel vm4, $0xFFFFFFFF, v43;
	v3 =	vsel vm4, v37, v3;
	vm4 =	vgt.f32 v37, v2  }
0xdd: {  	vm0 =	vnez.u8 v49;
	v4 =	vsel vm2, v5, v4;
	v3 =	vsel vm4, v2, v3  }
0xde: {  	v52 =	vld [tilespmem:$0x1FF80];
	v5 =	vsel vm2, $0x42440000, v5;
	v2 =	vsel vm4, v37, v2;
	vm15 =	vgt.f32 v41, v3  }
0xdf: {  	v48 =	vld [tilespmem:s19+$0xE300];
	v4 =	vsel vm0, $0x42480000, v4;
	vm3 =	vgt.f32 v41, v2;
	v3 =	vsel vm15, v41, v3  }
0xe0: {  	vm0 =	vnez.u8 v51;
	v4 =	vsel vm14, v5, v4;
	v3 =	vsel vm3, v2, v3  }
0xe1: {  	v5 =	vsel vm14, $0x42480000, v5;
	v2 =	vsel vm3, v41, v2;
	vm13 =	vgt.f32 v45, v3  }
0xe2: {  	v50 =	vld [tilespmem:s19+$0xE380];
	v4 =	vsel vm0, $0x424C0000, v4;
	vm2 =	vgt.f32 v45, v2;
	v3 =	vsel vm13, v45, v3  }
0xe3: {  	v53 =	vld [tilespmem:$0x1FF90];
	vm0 =	vnez.u8 v52;
	v4 =	vsel vm11, v5, v4;
	v3 =	vsel vm2, v2, v3  }
0xe4: {  	v5 =	vsel vm11, $0x424C0000, v5;
	v2 =	vsel vm2, v45, v2;
	vm14 =	vgt.f32 v48, v3  }
0xe5: {  	v55 =	vld [tilespmem:$0x1FFA0];
	v4 =	vsel vm0, $0x42500000, v4;
	vm1 =	vgt.f32 v48, v2;
	v3 =	vsel vm14, v48, v3  }
0xe6: {  	v4 =	vsel vm12, v5, v4;
	v3 =	vsel vm1, v2, v3  }
0xe7: {  	v56 =	vld [tilespmem:$0x1FFB0];
	v5 =	vsel vm12, $0x42500000, v5;
	v2 =	vsel vm1, v48, v2;
	vm11 =	vgt.f32 v50, v3  }
0xe8: {  	vm12 =	vnez.u8 v53;
	vm0 =	vgt.f32 v50, v2;
	v3 =	vsel vm11, v50, v3  }
0xe9: {  	v57 =	vld [tilespmem:$0x1FFC0];
	v4 =	vsel vm12, $0x42540000, v4;
	v3 =	vsel vm0, v2, v3;
	v2 =	vsel vm0, v50, v2  }
0xea: {  	[tilespmem:$0x1FFD0] =	vst v7;
	vm12 =	vnez.u8 v55;
	v2 =	vsub.f32 v3, v2;
	v3 =	vsel vm10, v5, v4  }
0xeb: {  	v58 =	vld [tilespmem:$0x1FFD0];
	v54 =	vsel vm10, $0x42540000, v5;
	v3 =	vsel vm12, $0x42580000, v3  }
0xec: {  	[tilespmem:$0x1FFE0] =	vst v6;
	vm12 =	vnez.u8 v56;
	v2 =	vmul.f32 $1.442695020e+00, v2;
	v3 =	vsel vm9, v54, v3  }
0xed: {  	v59 =	vld [tilespmem:$0x1FFE0];
	v4 =	vsel vm9, $0x42580000, v54;
	v3 =	vsel vm12, $0x425C0000, v3  }
0xee: {  	[tilespmem:$0x1FFF0] =	vst v8;
	vm12 =	vnez.u8 v57;
	(erf) = vpow2.f32 v2;
	v2 =	vsel vm8, v4, v3  }
0xef: {  	v60 =	vld [tilespmem:$0x1FFF0];
	v3 =	vsel vm8, $0x425C0000, v4;
	v2 =	vsel vm12, $0x42600000, v2  }
0xf0: {  	vm9 =	vnez.u8 v58;
	v2 =	vsel vm7, v3, v2  }
0xf1: {  	v3 =	vsel vm7, $0x42600000, v3;
	v2 =	vsel vm9, $0x42640000, v2  }
0xf2: {  	vm10 =	vnez.u8 v59;
	v2 =	vsel vm6, v3, v2  }
0xf3: {  	v3 =	vsel vm6, $0x42640000, v3;
	v2 =	vsel vm10, $0x42680000, v2  }
0xf4: {  	vm12 =	vnez.u8 v60;
	v2 =	vsel vm5, v3, v2  }
0xf5: {  	v3 =	vsel vm5, $0x42680000, v3;
	v2 =	vsel vm12, $0x426C0000, v2  }
0xf6: {  	v2 =	vsel vm4, v3, v2  }
0xf7: {  	v3 =	vsel vm4, $0x426C0000, v3;
	v2 =	vsel vm15, $0x42700000, v2  }
0xf8: {  	v61 =	vpop (erf);
	v2 =	vsel vm3, v3, v2  }
0xf9: {  	v62 =	vadd.f32 $1.000000000e+00, v61;
	v3 =	vsel vm3, $0x42700000, v3;
	v2 =	vsel vm13, $0x42740000, v2  }
0xfa: {  	v2 =	vsel vm2, v3, v2  }
0xfb: {  	(erf) = vrcp.f32 v62;
	v3 =	vsel vm2, $0x42740000, v3;
	v2 =	vsel vm14, $0x42780000, v2  }
0xfc: {  	v2 =	vsel vm1, v3, v2  }
0xfd: {  	v63 =	vsel vm1, $0x42780000, v3;
	v2 =	vsel vm11, $0x427C0000, v2  }
0xfe: {  	v2 =	vsel vm0, v63, v2  }
0xff: {  	v3 =	vsel vm0, $0x427C0000, v63;
	v2 =	vtrunc.f32 v2  }
0x100: {  	v3 =	vtrunc.f32 v3;
	v2 =	vcvt.f32.s32 v2  }
0x101: {  	v3 =	vcvt.f32.s32 v3;
	_ =	sdelay $0x1  }
0x102: {  	[tilespmem:s14+$0x0] =	vst v3  }
0x103: {  	s21 =	simm.s32 $0x10C10;
	[tilespmem:s15+$0x0] =	vst v2;
	v2 =	vpop (erf)  }
0x104: {  	s25 =	simm.s32 $0x10C00;
	s22 =	simm.s32 $0x0;
	s23 =	simm.s32 $0x10000;
	[tilespmem:s16+$0x0] =	vst v2;
	v2 =	vmul.f32 v2, v61  }
0x105: {  	s24 =	simm.s32 $0x10400;
	s20 =	simm.s32 $0x10810;
	s19 =	simm.s32 $0x10  }
.LBB2_2:
0x106: {  	[tilespmem:s25+$0x0] =	vst v2;
	s22 =	sadd.s32 $0x80, s22;
	s23 =	sadd.s32 $0x10, s23;
	s24 =	sadd.s32 $0x10, s24  }
0x107: {  	s25 =	sand.u32 $0x70, s19;
	p0 =	sne.s32 s19, $0x3F0;
	s26 =	sand.u32 $0x1C00, s22  }
0x108: {  	s19 =	sadd.s32 $0x10, s19;
	s26 =	sor.u32 s25, s26;
	s25 =	smov.u32 s21  }
0x109: {  	v2 =	vld [tilespmem:s26+$0x80]  }
0x10a: {  	v3 =	vld [tilespmem:s26+$0x0];
	_ =	sdelay $0x1  }
0x10b: {  	v4 =	vld [tilespmem:s26+$0x100];
	_ =	sdelay $0x1  }
0x10c: {  	vm0 =	vgt.f32 v2, $-1.000000020e+30  }
0x10d: {  	vm1 =	vgt.f32 v2, v3;
	v5 =	vsel vm0, $0x3F800000, v0;
	v6 =	vnsel vm0, $0xF149F2CA, v2;
	v7 =	vld [tilespmem:s26+$0x180]  }
0x10e: {  	v5 =	vsel vm1, $0x0, v5;
	v6 =	vsel vm1, v3, v6;
	v2 =	vsel vm1, v2, v3  }
0x10f: {  	v3 =	vsel vm1, $0x3F800000, v1;
	vm0 =	vgt.f32 v4, v6  }
0x110: {  	vm1 =	vgt.f32 v4, v2;
	v5 =	vsel vm0, $0x40000000, v5;
	v6 =	vsel vm0, v4, v6;
	v8 =	vld [tilespmem:s26+$0x200]  }
0x111: {  	v5 =	vsel vm1, v3, v5;
	v6 =	vsel vm1, v2, v6  }
0x112: {  	v3 =	vsel vm1, $0x40000000, v3;
	v2 =	vsel vm1, v4, v2;
	vm0 =	vgt.f32 v7, v6  }
0x113: {  	vm1 =	vgt.f32 v7, v2;
	v4 =	vsel vm0, $0x40400000, v5;
	v5 =	vsel vm0, v7, v6;
	v6 =	vld [tilespmem:s26+$0x280]  }
0x114: {  	v4 =	vsel vm1, v3, v4;
	v5 =	vsel vm1, v2, v5;
	v3 =	vsel vm1, $0x40400000, v3  }
0x115: {  	v2 =	vsel vm1, v7, v2;
	vm0 =	vgt.f32 v8, v5  }
0x116: {  	vm1 =	vgt.f32 v8, v2;
	v4 =	vsel vm0, $0x40800000, v4;
	v5 =	vsel vm0, v8, v5;
	v7 =	vld [tilespmem:s26+$0x300]  }
0x117: {  	v4 =	vsel vm1, v3, v4;
	v5 =	vsel vm1, v2, v5  }
0x118: {  	v3 =	vsel vm1, $0x40800000, v3;
	v2 =	vsel vm1, v8, v2;
	vm0 =	vgt.f32 v6, v5  }
0x119: {  	vm1 =	vgt.f32 v6, v2;
	v4 =	vsel vm0, $0x40A00000, v4;
	v5 =	vsel vm0, v6, v5;
	v8 =	vld [tilespmem:s26+$0x380]  }
0x11a: {  	v4 =	vsel vm1, v3, v4;
	v5 =	vsel vm1, v2, v5;
	v2 =	vsel vm1, v6, v2  }
0x11b: {  	vm0 =	vgt.f32 v7, v5  }
0x11c: {  	vm2 =	vgt.f32 v7, v2;
	v4 =	vsel vm0, $0x40C00000, v4;
	v5 =	vsel vm0, v7, v5;
	v6 =	vld [tilespmem:s26+$0x2000]  }
0x11d: {  	v3 =	vsel vm1, $0x40A00000, v3;
	v5 =	vsel vm2, v2, v5;
	v2 =	vsel vm2, v7, v2  }
0x11e: {  	v4 =	vsel vm2, v3, v4;
	v3 =	vsel vm2, $0x40C00000, v3;
	vm0 =	vgt.f32 v8, v5  }
0x11f: {  	vm1 =	vgt.f32 v8, v2;
	v4 =	vsel vm0, $0x40E00000, v4;
	v5 =	vsel vm0, v8, v5;
	v7 =	vld [tilespmem:s26+$0x2080]  }
0x120: {  	v4 =	vsel vm1, v3, v4;
	v5 =	vsel vm1, v2, v5;
	v2 =	vsel vm1, v8, v2  }
0x121: {  	v3 =	vsel vm1, $0x40E00000, v3;
	vm0 =	vgt.f32 v6, v5  }
0x122: {  	vm1 =	vgt.f32 v6, v2;
	v4 =	vsel vm0, $0x41000000, v4;
	v5 =	vsel vm0, v6, v5;
	v8 =	vld [tilespmem:s26+$0x2100]  }
0x123: {  	v9 =	vsel vm1, $0x41000000, v3;
	v5 =	vsel vm1, v2, v5;
	v2 =	vsel vm1, v6, v2  }
0x124: {  	v3 =	vsel vm1, v3, v4;
	vm0 =	vgt.f32 v7, v5  }
0x125: {  	vm1 =	vgt.f32 v7, v2;
	v3 =	vsel vm0, $0x41100000, v3;
	v4 =	vsel vm0, v7, v5;
	v5 =	vld [tilespmem:s26+$0x2180]  }
0x126: {  	v3 =	vsel vm1, v9, v3;
	v4 =	vsel vm1, v2, v4;
	v2 =	vsel vm1, v7, v2  }
0x127: {  	v6 =	vsel vm1, $0x41100000, v9;
	vm0 =	vgt.f32 v8, v4  }
0x128: {  	vm1 =	vgt.f32 v8, v2;
	v3 =	vsel vm0, $0x41200000, v3;
	v4 =	vsel vm0, v8, v4;
	v7 =	vld [tilespmem:s26+$0x2200]  }
0x129: {  	v3 =	vsel vm1, v6, v3;
	v4 =	vsel vm1, v2, v4  }
0x12a: {  	v6 =	vsel vm1, $0x41200000, v6;
	v2 =	vsel vm1, v8, v2;
	vm0 =	vgt.f32 v5, v4  }
0x12b: {  	vm1 =	vgt.f32 v5, v2;
	v3 =	vsel vm0, $0x41300000, v3;
	v4 =	vsel vm0, v5, v4;
	v8 =	vld [tilespmem:s26+$0x2280]  }
0x12c: {  	v3 =	vsel vm1, v6, v3;
	v4 =	vsel vm1, v2, v4;
	v6 =	vsel vm1, $0x41300000, v6  }
0x12d: {  	v2 =	vsel vm1, v5, v2;
	vm0 =	vgt.f32 v7, v4  }
0x12e: {  	vm1 =	vgt.f32 v7, v2;
	v3 =	vsel vm0, $0x41400000, v3;
	v4 =	vsel vm0, v7, v4;
	v5 =	vld [tilespmem:s26+$0x2300]  }
0x12f: {  	v3 =	vsel vm1, v6, v3;
	v4 =	vsel vm1, v2, v4;
	v2 =	vsel vm1, v7, v2  }
0x130: {  	v6 =	vsel vm1, $0x41400000, v6;
	vm0 =	vgt.f32 v8, v4  }
0x131: {  	vm1 =	vgt.f32 v8, v2;
	v3 =	vsel vm0, $0x41500000, v3;
	v4 =	vsel vm0, v8, v4;
	v7 =	vld [tilespmem:s26+$0x2380]  }
0x132: {  	v3 =	vsel vm1, v6, v3;
	v4 =	vsel vm1, v2, v4;
	v2 =	vsel vm1, v8, v2  }
0x133: {  	v6 =	vsel vm1, $0x41500000, v6;
	vm0 =	vgt.f32 v5, v4  }
0x134: {  	vm1 =	vgt.f32 v5, v2;
	v3 =	vsel vm0, $0x41600000, v3;
	v4 =	vsel vm0, v5, v4;
	v8 =	vld [tilespmem:s26+$0x4000]  }
0x135: {  	v3 =	vsel vm1, v6, v3;
	v4 =	vsel vm1, v2, v4;
	v6 =	vsel vm1, $0x41600000, v6  }
0x136: {  	v2 =	vsel vm1, v5, v2;
	vm0 =	vgt.f32 v7, v4  }
0x137: {  	vm1 =	vgt.f32 v7, v2;
	v3 =	vsel vm0, $0x41700000, v3;
	v4 =	vsel vm0, v7, v4;
	v5 =	vld [tilespmem:s26+$0x4080]  }
0x138: {  	v3 =	vsel vm1, v6, v3;
	v4 =	vsel vm1, v2, v4;
	v2 =	vsel vm1, v7, v2  }
0x139: {  	v6 =	vsel vm1, $0x41700000, v6;
	vm0 =	vgt.f32 v8, v4  }
0x13a: {  	vm1 =	vgt.f32 v8, v2;
	v3 =	vsel vm0, $0x41800000, v3;
	v4 =	vsel vm0, v8, v4;
	v7 =	vld [tilespmem:s26+$0x4100]  }
0x13b: {  	v3 =	vsel vm1, v6, v3;
	v4 =	vsel vm1, v2, v4;
	v2 =	vsel vm1, v8, v2  }
0x13c: {  	v6 =	vsel vm1, $0x41800000, v6;
	vm0 =	vgt.f32 v5, v4  }
0x13d: {  	vm1 =	vgt.f32 v5, v2;
	v3 =	vsel vm0, $0x41880000, v3;
	v4 =	vsel vm0, v5, v4;
	v8 =	vld [tilespmem:s26+$0x4180]  }
0x13e: {  	v3 =	vsel vm1, v6, v3;
	v4 =	vsel vm1, v2, v4;
	v2 =	vsel vm1, v5, v2  }
0x13f: {  	v5 =	vsel vm1, $0x41880000, v6;
	vm0 =	vgt.f32 v7, v4  }
0x140: {  	vm1 =	vgt.f32 v7, v2;
	v3 =	vsel vm0, $0x41900000, v3;
	v4 =	vsel vm0, v7, v4;
	v6 =	vld [tilespmem:s26+$0x4200]  }
0x141: {  	v3 =	vsel vm1, v5, v3;
	v4 =	vsel vm1, v2, v4;
	v5 =	vsel vm1, $0x41900000, v5  }
0x142: {  	v2 =	vsel vm1, v7, v2;
	vm0 =	vgt.f32 v8, v4  }
0x143: {  	vm1 =	vgt.f32 v8, v2;
	v3 =	vsel vm0, $0x41980000, v3;
	v4 =	vsel vm0, v8, v4;
	v7 =	vld [tilespmem:s26+$0x4280]  }
0x144: {  	v3 =	vsel vm1, v5, v3;
	v4 =	vsel vm1, v2, v4  }
0x145: {  	v5 =	vsel vm1, $0x41980000, v5;
	v2 =	vsel vm1, v8, v2;
	vm0 =	vgt.f32 v6, v4  }
0x146: {  	vm1 =	vgt.f32 v6, v2;
	v3 =	vsel vm0, $0x41A00000, v3;
	v4 =	vsel vm0, v6, v4;
	v8 =	vld [tilespmem:s26+$0x4300]  }
0x147: {  	v3 =	vsel vm1, v5, v3;
	v4 =	vsel vm1, v2, v4;
	v2 =	vsel vm1, v6, v2  }
0x148: {  	v5 =	vsel vm1, $0x41A00000, v5;
	vm0 =	vgt.f32 v7, v4  }
0x149: {  	vm1 =	vgt.f32 v7, v2;
	v3 =	vsel vm0, $0x41A80000, v3;
	v4 =	vsel vm0, v7, v4;
	v6 =	vld [tilespmem:s26+$0x4380]  }
0x14a: {  	v3 =	vsel vm1, v5, v3;
	v4 =	vsel vm1, v2, v4;
	v2 =	vsel vm1, v7, v2  }
0x14b: {  	v5 =	vsel vm1, $0x41A80000, v5;
	vm0 =	vgt.f32 v8, v4  }
0x14c: {  	vm1 =	vgt.f32 v8, v2;
	v3 =	vsel vm0, $0x41B00000, v3;
	v4 =	vsel vm0, v8, v4;
	v7 =	vld [tilespmem:s26+$0x6000]  }
0x14d: {  	v3 =	vsel vm1, v5, v3;
	v4 =	vsel vm1, v2, v4  }
0x14e: {  	v5 =	vsel vm1, $0x41B00000, v5;
	v2 =	vsel vm1, v8, v2;
	vm0 =	vgt.f32 v6, v4  }
0x14f: {  	vm1 =	vgt.f32 v6, v2;
	v3 =	vsel vm0, $0x41B80000, v3;
	v4 =	vsel vm0, v6, v4;
	v8 =	vld [tilespmem:s26+$0x6080]  }
0x150: {  	v3 =	vsel vm1, v5, v3;
	v4 =	vsel vm1, v2, v4;
	v5 =	vsel vm1, $0x41B80000, v5  }
0x151: {  	v2 =	vsel vm1, v6, v2;
	vm0 =	vgt.f32 v7, v4  }
0x152: {  	vm1 =	vgt.f32 v7, v2;
	v3 =	vsel vm0, $0x41C00000, v3;
	v4 =	vsel vm0, v7, v4;
	v6 =	vld [tilespmem:s26+$0x6100]  }
0x153: {  	v3 =	vsel vm1, v5, v3;
	v4 =	vsel vm1, v2, v4;
	v5 =	vsel vm1, $0x41C00000, v5  }
0x154: {  	v2 =	vsel vm1, v7, v2;
	vm0 =	vgt.f32 v8, v4  }
0x155: {  	vm1 =	vgt.f32 v8, v2;
	v3 =	vsel vm0, $0x41C80000, v3;
	v4 =	vsel vm0, v8, v4;
	v7 =	vld [tilespmem:s26+$0x6180]  }
0x156: {  	v3 =	vsel vm1, v5, v3;
	v4 =	vsel vm1, v2, v4;
	v5 =	vsel vm1, $0x41C80000, v5  }
0x157: {  	v2 =	vsel vm1, v8, v2;
	vm0 =	vgt.f32 v6, v4  }
0x158: {  	vm1 =	vgt.f32 v6, v2;
	v3 =	vsel vm0, $0x41D00000, v3;
	v4 =	vsel vm0, v6, v4;
	v8 =	vld [tilespmem:s26+$0x6200]  }
0x159: {  	v3 =	vsel vm1, v5, v3;
	v4 =	vsel vm1, v2, v4  }
0x15a: {  	v5 =	vsel vm1, $0x41D00000, v5;
	v2 =	vsel vm1, v6, v2;
	vm0 =	vgt.f32 v7, v4  }
0x15b: {  	vm1 =	vgt.f32 v7, v2;
	v3 =	vsel vm0, $0x41D80000, v3;
	v4 =	vsel vm0, v7, v4;
	v6 =	vld [tilespmem:s26+$0x6280]  }
0x15c: {  	v3 =	vsel vm1, v5, v3;
	v4 =	vsel vm1, v2, v4  }
0x15d: {  	v2 =	vsel vm1, v7, v2;
	vm0 =	vgt.f32 v8, v4  }
0x15e: {  	vm2 =	vgt.f32 v8, v2;
	v3 =	vsel vm0, $0x41E00000, v3;
	v4 =	vsel vm0, v8, v4;
	v7 =	vld [tilespmem:s26+$0x6300]  }
0x15f: {  	v5 =	vsel vm1, $0x41D80000, v5;
	v4 =	vsel vm2, v2, v4  }
0x160: {  	v3 =	vsel vm2, v5, v3;
	v2 =	vsel vm2, v8, v2;
	vm0 =	vgt.f32 v6, v4  }
0x161: {  	v5 =	vsel vm2, $0x41E00000, v5;
	vm1 =	vgt.f32 v6, v2;
	v4 =	vsel vm0, v6, v4;
	v8 =	vld [tilespmem:s26+$0x6380]  }
0x162: {  	v3 =	vsel vm0, $0x41E80000, v3;
	v4 =	vsel vm1, v2, v4;
	v2 =	vsel vm1, v6, v2  }
0x163: {  	v6 =	vsel vm1, $0x41E80000, v5;
	vm0 =	vgt.f32 v7, v2;
	vm2 =	vgt.f32 v7, v4  }
0x164: {  	v3 =	vsel vm1, v5, v3;
	v4 =	vsel vm2, v7, v4;
	v5 =	vsel vm0, $0x41F00000, v6;
	v9 =	vld [tilespmem:s26+$0x8000]  }
0x165: {  	v3 =	vsel vm2, $0x41F00000, v3;
	v4 =	vsel vm0, v2, v4  }
0x166: {  	v3 =	vsel vm0, v6, v3;
	v2 =	vsel vm0, v7, v2;
	vm0 =	vgt.f32 v8, v4  }
0x167: {  	vm1 =	vgt.f32 v8, v2;
	v3 =	vsel vm0, $0x41F80000, v3;
	v4 =	vsel vm0, v8, v4;
	v6 =	vld [tilespmem:s26+$0x8080]  }
0x168: {  	v3 =	vsel vm1, v5, v3;
	v4 =	vsel vm1, v2, v4;
	v5 =	vsel vm1, $0x41F80000, v5  }
0x169: {  	v2 =	vsel vm1, v8, v2;
	vm0 =	vgt.f32 v9, v4  }
0x16a: {  	vm1 =	vgt.f32 v9, v2;
	v3 =	vsel vm0, $0x42000000, v3;
	v4 =	vsel vm0, v9, v4;
	v7 =	vld [tilespmem:s26+$0x8100]  }
0x16b: {  	v3 =	vsel vm1, v5, v3;
	v4 =	vsel vm1, v2, v4;
	v5 =	vsel vm1, $0x42000000, v5  }
0x16c: {  	v2 =	vsel vm1, v9, v2;
	vm0 =	vgt.f32 v6, v4  }
0x16d: {  	vm5 =	vgt.f32 v6, v2;
	v3 =	vsel vm0, $0x42040000, v3;
	v4 =	vsel vm0, v6, v4;
	v8 =	vld [tilespmem:s26+$0x8180]  }
0x16e: {  	v3 =	vsel vm5, v5, v3;
	v4 =	vsel vm5, v2, v4  }
0x16f: {  	v2 =	vsel vm5, v6, v2;
	vm2 =	vgt.f32 v7, v4  }
0x170: {  	vm6 =	vgt.f32 v7, v2;
	v4 =	vsel vm2, v7, v4;
	v6 =	vld [tilespmem:s26+$0x8200]  }
0x171: {  	v4 =	vsel vm6, v2, v4  }
0x172: {  	v2 =	vsel vm6, v7, v2;
	vm7 =	vgt.f32 v8, v4  }
0x173: {  	vm0 =	vgt.f32 v8, v2;
	v4 =	vsel vm7, v8, v4;
	v7 =	vld [tilespmem:s26+$0x8280]  }
0x174: {  	v4 =	vsel vm0, v2, v4  }
0x175: {  	v2 =	vsel vm0, v8, v2;
	vm3 =	vgt.f32 v6, v4  }
0x176: {  	vm1 =	vgt.f32 v6, v2;
	v4 =	vsel vm3, v6, v4;
	v8 =	vld [tilespmem:s26+$0x8300]  }
0x177: {  	v4 =	vsel vm1, v2, v4;
	v2 =	vsel vm1, v6, v2  }
0x178: {  	vm4 =	vgt.f32 v7, v4  }
0x179: {  	v3 =	vsel vm2, $0x42080000, v3;
	vm2 =	vgt.f32 v7, v2;
	v4 =	vsel vm4, v7, v4;
	v6 =	vld [tilespmem:s26+$0x8380]  }
0x17a: {  	v5 =	vsel vm5, $0x42040000, v5;
	v4 =	vsel vm2, v2, v4;
	v2 =	vsel vm2, v7, v2  }
0x17b: {  	v3 =	vsel vm6, v5, v3;
	v5 =	vsel vm6, $0x42080000, v5;
	vm6 =	vgt.f32 v8, v4  }
0x17c: {  	v7 =	vsel vm0, $0x420C0000, v5;
	vm5 =	vgt.f32 v8, v2;
	v4 =	vsel vm6, v8, v4;
	v9 =	vld [tilespmem:s26+$0xA000]  }
0x17d: {  	v3 =	vsel vm7, $0x420C0000, v3;
	v10 =	vsel vm1, $0x42100000, v7;
	v4 =	vsel vm5, v2, v4  }
0x17e: {  	v11 =	vsel vm2, $0x42140000, v10;
	v2 =	vsel vm5, v8, v2;
	vm8 =	vgt.f32 v6, v4  }
0x17f: {  	v8 =	vsel vm5, $0x42180000, v11;
	vm7 =	vgt.f32 v6, v2;
	v4 =	vsel vm8, v6, v4;
	v12 =	vld [tilespmem:s26+$0xA080]  }
0x180: {  	v3 =	vsel vm0, v5, v3;
	v5 =	vsel vm7, $0x421C0000, v8;
	v4 =	vsel vm7, v2, v4  }
0x181: {  	v3 =	vsel vm3, $0x42100000, v3;
	v2 =	vsel vm7, v6, v2;
	vm3 =	vgt.f32 v9, v4  }
0x182: {  	v3 =	vsel vm1, v7, v3;
	vm0 =	vgt.f32 v9, v2;
	v4 =	vsel vm3, v9, v4;
	v6 =	vld [tilespmem:s26+$0xA100]  }
0x183: {  	v3 =	vsel vm4, $0x42140000, v3;
	v7 =	vsel vm0, $0x42200000, v5;
	v4 =	vsel vm0, v2, v4  }
0x184: {  	v3 =	vsel vm2, v10, v3;
	v2 =	vsel vm0, v9, v2;
	vm1 =	vgt.f32 v12, v4  }
0x185: {  	v3 =	vsel vm6, $0x42180000, v3;
	vm2 =	vgt.f32 v12, v2;
	v4 =	vsel vm1, v12, v4;
	v9 =	vld [tilespmem:s26+$0xA180]  }
0x186: {  	v3 =	vsel vm5, v11, v3;
	v4 =	vsel vm2, v2, v4;
	v2 =	vsel vm2, v12, v2  }
0x187: {  	v3 =	vsel vm8, $0x421C0000, v3;
	v10 =	vsel vm2, $0x42240000, v7;
	vm4 =	vgt.f32 v6, v4  }
0x188: {  	v3 =	vsel vm7, v8, v3;
	vm5 =	vgt.f32 v6, v2;
	v4 =	vsel vm4, v6, v4;
	v8 =	vld [tilespmem:s26+$0xA200]  }
0x189: {  	v3 =	vsel vm3, $0x42200000, v3;
	v11 =	vsel vm5, $0x42280000, v10;
	v4 =	vsel vm5, v2, v4  }
0x18a: {  	v3 =	vsel vm0, v5, v3;
	v2 =	vsel vm5, v6, v2;
	vm0 =	vgt.f32 v9, v4  }
0x18b: {  	v3 =	vsel vm1, $0x42240000, v3;
	vm1 =	vgt.f32 v9, v2;
	v4 =	vsel vm0, v9, v4;
	v5 =	vld [tilespmem:s26+$0xA280]  }
0x18c: {  	v3 =	vsel vm2, v7, v3;
	v6 =	vsel vm1, $0x422C0000, v11;
	v4 =	vsel vm1, v2, v4  }
0x18d: {  	v3 =	vsel vm4, $0x42280000, v3;
	v2 =	vsel vm1, v9, v2;
	vm2 =	vgt.f32 v8, v4  }
0x18e: {  	v3 =	vsel vm5, v10, v3;
	vm3 =	vgt.f32 v8, v2;
	v4 =	vsel vm2, v8, v4;
	v7 =	vld [tilespmem:s26+$0xA300]  }
0x18f: {  	v9 =	vsel vm3, $0x42300000, v6;
	v4 =	vsel vm3, v2, v4;
	v2 =	vsel vm3, v8, v2  }
0x190: {  	v3 =	vsel vm0, $0x422C0000, v3;
	vm0 =	vgt.f32 v5, v4  }
0x191: {  	v3 =	vsel vm1, v11, v3;
	vm1 =	vgt.f32 v5, v2;
	v4 =	vsel vm0, v5, v4;
	v8 =	vld [tilespmem:s26+$0xA380]  }
0x192: {  	v3 =	vsel vm2, $0x42300000, v3;
	v4 =	vsel vm1, v2, v4;
	v2 =	vsel vm1, v5, v2  }
0x193: {  	v3 =	vsel vm3, v6, v3;
	v5 =	vsel vm1, $0x42340000, v9;
	vm2 =	vgt.f32 v7, v4  }
0x194: {  	v3 =	vsel vm0, $0x42340000, v3;
	vm0 =	vgt.f32 v7, v2;
	v4 =	vsel vm2, v7, v4;
	v6 =	vld [tilespmem:s26+$0xC000]  }
0x195: {  	v3 =	vsel vm1, v9, v3;
	v9 =	vsel vm0, $0x42380000, v5;
	v4 =	vsel vm0, v2, v4  }
0x196: {  	v3 =	vsel vm2, $0x42380000, v3;
	v2 =	vsel vm0, v7, v2;
	vm1 =	vgt.f32 v8, v4  }
0x197: {  	v3 =	vsel vm0, v5, v3;
	vm0 =	vgt.f32 v8, v2;
	v4 =	vsel vm1, v8, v4;
	v5 =	vld [tilespmem:s26+$0xC080]  }
0x198: {  	v3 =	vsel vm1, $0x423C0000, v3;
	v7 =	vsel vm0, $0x423C0000, v9;
	v4 =	vsel vm0, v2, v4  }
0x199: {  	v3 =	vsel vm0, v9, v3;
	v2 =	vsel vm0, v8, v2;
	vm0 =	vgt.f32 v6, v4  }
0x19a: {  	vm1 =	vgt.f32 v6, v2;
	v3 =	vsel vm0, $0x42400000, v3;
	v4 =	vsel vm0, v6, v4;
	v8 =	vld [tilespmem:s26+$0xC100]  }
0x19b: {  	v3 =	vsel vm1, v7, v3;
	v4 =	vsel vm1, v2, v4  }
0x19c: {  	v2 =	vsel vm1, v6, v2;
	vm0 =	vgt.f32 v5, v4  }
0x19d: {  	vm2 =	vgt.f32 v5, v2;
	v3 =	vsel vm0, $0x42440000, v3;
	v4 =	vsel vm0, v5, v4;
	v6 =	vld [tilespmem:s26+$0xC180]  }
0x19e: {  	v4 =	vsel vm2, v2, v4  }
0x19f: {  	v2 =	vsel vm2, v5, v2;
	vm0 =	vgt.f32 v8, v4  }
0x1a0: {  	vm3 =	vgt.f32 v8, v2;
	v4 =	vsel vm0, v8, v4;
	v5 =	vld [tilespmem:s26+$0xC200]  }
0x1a1: {  	v4 =	vsel vm3, v2, v4  }
0x1a2: {  	v7 =	vsel vm1, $0x42400000, v7;
	v2 =	vsel vm3, v8, v2;
	vm1 =	vgt.f32 v6, v4  }
0x1a3: {  	v8 =	vsel vm2, $0x42440000, v7;
	vm4 =	vgt.f32 v6, v2;
	v4 =	vsel vm1, v6, v4;
	v9 =	vld [tilespmem:s26+$0xC280]  }
0x1a4: {  	v3 =	vsel vm2, v7, v3;
	v7 =	vsel vm3, $0x42480000, v8;
	v4 =	vsel vm4, v2, v4  }
0x1a5: {  	v10 =	vsel vm4, $0x424C0000, v7;
	v2 =	vsel vm4, v6, v2;
	vm2 =	vgt.f32 v5, v4  }
0x1a6: {  	v3 =	vsel vm0, $0x42480000, v3;
	vm0 =	vgt.f32 v5, v2;
	v4 =	vsel vm2, v5, v4;
	v6 =	vld [tilespmem:s26+$0xC300]  }
0x1a7: {  	v3 =	vsel vm3, v8, v3;
	v8 =	vsel vm0, $0x42500000, v10;
	v4 =	vsel vm0, v2, v4  }
0x1a8: {  	v3 =	vsel vm1, $0x424C0000, v3;
	v2 =	vsel vm0, v5, v2;
	vm1 =	vgt.f32 v9, v4  }
0x1a9: {  	v3 =	vsel vm4, v7, v3;
	vm3 =	vgt.f32 v9, v2;
	v4 =	vsel vm1, v9, v4;
	v5 =	vld [tilespmem:s26+$0xC380]  }
0x1aa: {  	v3 =	vsel vm2, $0x42500000, v3;
	v4 =	vsel vm3, v2, v4  }
0x1ab: {  	v3 =	vsel vm0, v10, v3;
	v2 =	vsel vm3, v9, v2;
	vm0 =	vgt.f32 v6, v4  }
0x1ac: {  	v3 =	vsel vm1, $0x42540000, v3;
	vm1 =	vgt.f32 v6, v2;
	v4 =	vsel vm0, v6, v4;
	v7 =	vld [tilespmem:s26+$0xE000]  }
0x1ad: {  	v3 =	vsel vm3, v8, v3;
	v8 =	vsel vm3, $0x42540000, v8;
	v4 =	vsel vm1, v2, v4  }
0x1ae: {  	v3 =	vsel vm0, $0x42580000, v3;
	v2 =	vsel vm1, v6, v2;
	vm0 =	vgt.f32 v5, v4  }
0x1af: {  	v3 =	vsel vm1, v8, v3;
	vm2 =	vgt.f32 v5, v2;
	v4 =	vsel vm0, v5, v4;
	v6 =	vld [tilespmem:s26+$0xE080]  }
0x1b0: {  	v8 =	vsel vm1, $0x42580000, v8;
	v3 =	vsel vm0, $0x425C0000, v3;
	v4 =	vsel vm2, v2, v4  }
0x1b1: {  	v9 =	vsel vm2, $0x425C0000, v8;
	v2 =	vsel vm2, v5, v2;
	vm0 =	vgt.f32 v7, v4  }
0x1b2: {  	v3 =	vsel vm2, v8, v3;
	vm1 =	vgt.f32 v7, v2;
	v4 =	vsel vm0, v7, v4;
	v5 =	vld [tilespmem:s26+$0xE100]  }
0x1b3: {  	v3 =	vsel vm0, $0x42600000, v3;
	v4 =	vsel vm1, v2, v4;
	v2 =	vsel vm1, v7, v2  }
0x1b4: {  	v3 =	vsel vm1, v9, v3;
	v7 =	vsel vm1, $0x42600000, v9;
	vm0 =	vgt.f32 v6, v4  }
0x1b5: {  	vm3 =	vgt.f32 v6, v2;
	v3 =	vsel vm0, $0x42640000, v3;
	v4 =	vsel vm0, v6, v4;
	v8 =	vld [tilespmem:s26+$0xE180]  }
0x1b6: {  	v3 =	vsel vm3, v7, v3;
	v4 =	vsel vm3, v2, v4  }
0x1b7: {  	v2 =	vsel vm3, v6, v2;
	vm0 =	vgt.f32 v5, v4  }
0x1b8: {  	vm6 =	vgt.f32 v5, v2;
	v3 =	vsel vm0, $0x42680000, v3;
	v4 =	vsel vm0, v5, v4;
	v6 =	vld [tilespmem:s26+$0xE200]  }
0x1b9: {  	v4 =	vsel vm6, v2, v4  }
0x1ba: {  	v2 =	vsel vm6, v5, v2;
	vm5 =	vgt.f32 v8, v4  }
0x1bb: {  	vm0 =	vgt.f32 v8, v2;
	v4 =	vsel vm5, v8, v4;
	v5 =	vld [tilespmem:s26+$0xE280]  }
0x1bc: {  	v4 =	vsel vm0, v2, v4  }
0x1bd: {  	v2 =	vsel vm0, v8, v2;
	vm2 =	vgt.f32 v6, v4  }
0x1be: {  	vm1 =	vgt.f32 v6, v2;
	v4 =	vsel vm2, v6, v4;
	v8 =	vld [tilespmem:s26+$0xE300]  }
0x1bf: {  	v4 =	vsel vm1, v2, v4  }
0x1c0: {  	v2 =	vsel vm1, v6, v2;
	vm4 =	vgt.f32 v5, v4  }
0x1c1: {  	v6 =	vsel vm3, $0x42640000, v7;
	vm3 =	vgt.f32 v5, v2;
	v4 =	vsel vm4, v5, v4;
	v7 =	vld [tilespmem:s26+$0xE380]  }
0x1c2: {  	v3 =	vsel vm6, v6, v3;
	v6 =	vsel vm6, $0x42680000, v6;
	v4 =	vsel vm3, v2, v4  }
0x1c3: {  	v9 =	vsel vm0, $0x426C0000, v6;
	v2 =	vsel vm3, v5, v2;
	vm6 =	vgt.f32 v8, v4  }
0x1c4: {  	v5 =	vsel vm1, $0x42700000, v9;
	vm7 =	vgt.f32 v8, v2;
	v4 =	vsel vm6, v8, v4  }
0x1c5: {  	v3 =	vsel vm5, $0x426C0000, v3;
	v10 =	vsel vm3, $0x42740000, v5;
	v4 =	vsel vm7, v2, v4  }
0x1c6: {  	v11 =	vsel vm7, $0x42780000, v10;
	v2 =	vsel vm7, v8, v2;
	vm5 =	vgt.f32 v7, v4  }
0x1c7: {  	v3 =	vsel vm0, v6, v3;
	vm0 =	vgt.f32 v7, v2;
	v4 =	vsel vm5, v7, v4  }
0x1c8: {  	v3 =	vsel vm2, $0x42700000, v3;
	v4 =	vsel vm0, v2, v4;
	v2 =	vsel vm0, v7, v2  }
0x1c9: {  	v3 =	vsel vm1, v9, v3;
	v6 =	vsel vm0, $0x427C0000, v11;
	v2 =	vsub.f32 v4, v2  }
0x1ca: {  	v3 =	vsel vm4, $0x42740000, v3;
	v4 =	vtrunc.f32 v6  }
0x1cb: {  	v3 =	vsel vm3, v5, v3;
	v4 =	vcvt.f32.s32 v4;
	v2 =	vmul.f32 $1.442695020e+00, v2  }
0x1cc: {  	v3 =	vsel vm6, $0x42780000, v3  }
0x1cd: {  	v3 =	vsel vm7, v10, v3;
	[tilespmem:s23+$0x0] =	vst v4;
	(erf) = vpow2.f32 v2  }
0x1ce: {  	v2 =	vsel vm5, $0x427C0000, v3  }
0x1cf: {  	v2 =	vsel vm0, v11, v2  }
0x1d0: {  	v2 =	vtrunc.f32 v2  }
0x1d1: {  	v2 =	vcvt.f32.s32 v2;
	_ =	sdelay $0x1  }
0x1d2: {  	[tilespmem:s24+$0x0] =	vst v2;
	_ =	sdelay $0x2  }
0x1d3: {  	v2 =	vpop (erf)  }
0x1d4: {  	v3 =	vadd.f32 $1.000000000e+00, v2;
	_ =	sdelay $0x1  }
0x1d5: {  	(erf) = vrcp.f32 v3;
	_ =	sdelay $0x6  }
.Ltmp0:
0x1d6: {  	(pc) =	sbr.rel @p0 .LBB2_2-.Ltmp0, $4  }
0x1d7: {  	_ = 	snop  }
0x1d8: {  	v3 =	vpop (erf)  }
0x1d9: {  	[tilespmem:s20+$0x0] =	vst v3;
	v2 =	vmul.f32 v3, v2  }
0x1da: {  	s21 =	sadd.s32 $0x10, s21;
	s20 =	sadd.s32 $0x10, s20  }
0x1db: {  	[tilespmem:s25+$0x0] =	vst v2  }
0x1dc: {  	[hbm4b:s4+s12] =	stream.strided.scatter [tilespmem:s14], [sflag:$0x1], $0x400, s13, s12, $0x38;
	[tilespmem:$0x11000] =	vst v63  }
0x1dd: {  	_ =	swait.ge [sflag:s11], $0x400  }
0x1de: {  	[sflag:s11] =	ssyncset.done $0x0  }
0x1df: {  	[sflag:s11] =	ssyncadd.s32 $0xFFFFFC00  }
0x1e0: {  	[hbm4b:s5+s12] =	stream.strided.scatter [tilespmem:s15], [sflag:$0x1], $0x400, s13, s12, $0x38;
	[tilespmem:$0x11000] =	vst v63  }
0x1e1: {  	_ =	swait.ge [sflag:s11], $0x400  }
0x1e2: {  	[sflag:s11] =	ssyncset.done $0x0  }
0x1e3: {  	[sflag:s11] =	ssyncadd.s32 $0xFFFFFC00  }
0x1e4: {  	[hbm4b:s6+s12] =	stream.strided.scatter [tilespmem:s16], [sflag:$0x1], $0x400, s13, s12, $0x38;
	[tilespmem:$0x11000] =	vst v63  }
0x1e5: {  	s18 =	sadd.s32 $0x1, s18;
	_ =	swait.ge [sflag:s11], $0x400  }
0x1e6: {  	p0 =	sne.s32 s18, s8;
	[sflag:s11] =	ssyncset.done $0x0  }
.Ltmp1:
0x1e7: {  	[sflag:s11] =	ssyncadd.s32 $0xFFFFFC00;
	(pc) =	sbr.rel @p0 .LBB2_1-.Ltmp1, $4  }
0x1e8: {  	[hbm4b:s7+s12] =	stream.strided.scatter [tilespmem:s17], [sflag:$0x1], $0x400, s13, s12, $0x38;
	[tilespmem:$0x11000] =	vst v63  }
0x1e9: {  	_ =	swait.ge [sflag:s11], $0x400  }
0x1ea: {  	[sflag:s11] =	ssyncset.done $0x0  }
0x1eb: {  	[sflag:s11] =	ssyncadd.s32 $0xFFFFFC00  }
0x1ec: {  	_ =	sfence.sel $0x180000  }
0x1ed: {  	[bflag:$0x0] =	sbarrier.arrive $0xFFFF  }
0x1ee: {  	p0 =	sne.s32 s1, $0x0;
	_ =	strace $0x90000047  }
0x1ef: {  	s0 =	sadd.s32 @!p0 $0x100000, s0;
	[bflag:$0x2] =	sbarrier.arrive $0xFFFF  }
0x1f0: {  	[sflag:s0] =	ssyncadd.tile.s32 @!p0 $0x1;
	_ =	shalt  }
.Lfunc_end2:
_tile_overlayer_lowered:
.L_overlay_start_2:
0x1f1: {  	(tag) =	ssettag $0x2  }
0x1f2: {  	s0 =	rddreg [dreg:$0x0];
	s2 =	stileid.u32  }
0x1f3: {  	s1 =	rddreg [dreg:$0x1];
	p0 =	sne.s32 s2, $0x0  }
0x1f4: {  	s3 =	rddreg [dreg:$0x2];
	[bflag:$0x3] =	sbarrier.arrive $0xFFFF;
	s2 =	simm.s32 @!p0 $0x1C01  }
0x1f5: {  	[timem:s3], [sflag:s2] =	dma.local @!p0 [hbm:s0], s1  }
0x1f6: {  	s0 =	simm.s32 @!p0 $0x1  }
0x1f7: {  	_ =	swait.ge @!p0 [sflag:s0], s1  }
0x1f8: {  	s1 =	ssub.s32 @!p0 $0x0, s1;
	[sflag:s0] =	ssyncset.done @!p0 $0x0  }
0x1f9: {  	[sflag:s0] =	ssyncadd.s32 @!p0 s1  }
0x1fa: {  	[bflag:$0x3] =	sbarrier.arrive $0xFFFF  }
0x1fb: {  	_ =	shalt  }

</sc_bundles>
